<compile_context>
chip_gen: v7x
topology: tpu7x:2x2x1
jax: 0.10.2.dev20260603
libtpu: 0.0.44.dev20260713+nightly
codegen_flags: <defaults>
</compile_context>

<pallas_src>
import functools

import jax
import jax.numpy as jnp
from jax import lax
from jax.experimental import pallas as pl
from jax.experimental.pallas import tpu as pltpu
from jax.experimental.pallas import tpu_sc as plsc

_NC, _NS = 2, 16
_NW = _NC * _NS
_CH = 128


def _sc_gather(ids3, itax, word_emb, pos_z):
    nw, n_chunks, _ = ids3.shape
    _, n_pchunks, align, _ = itax.shape
    bl = nw * n_chunks * _CH
    bp = nw * n_pchunks * _CH
    _, h = word_emb.shape
    rows_w = bl // _NW
    prow_w = bp // _NW

    mesh = plsc.VectorSubcoreMesh(
        core_axis_name="c", subcore_axis_name="s",
        num_cores=_NC, num_subcores=_NS)

    @functools.partial(
        pl.kernel,
        out_type=(jax.ShapeDtypeStruct((bl, h), jnp.float32),
                  jax.ShapeDtypeStruct((bp, h), jnp.float32)),
        mesh=mesh,
        scratch_types=[
            pltpu.VMEM((n_chunks, _CH), jnp.int32),
            pltpu.VMEM((n_pchunks, align, _CH), jnp.int32),
            pltpu.VMEM((_CH, h), jnp.float32),
            pltpu.VMEM((_CH, h), jnp.float32),
            pltpu.VMEM((_CH, h), jnp.float32),
            pltpu.VMEM((_CH, h), jnp.float32),
            pltpu.SemaphoreType.DMA,
            pltpu.SemaphoreType.DMA,
            pltpu.SemaphoreType.DMA,
            pltpu.SemaphoreType.DMA,
            pltpu.SemaphoreType.DMA,
            pltpu.SemaphoreType.DMA,
        ],
    )
    def k(ids_hbm, ita_hbm, word_hbm, posz_hbm, zero_hbm, g_hbm, p_hbm,
          idx_v, pidx_v, bufa, bufb, acca, accb,
          sema, semb, psema, psemb, zsema, zsemb):
        wid = lax.axis_index("s") * _NC + lax.axis_index("c")
        gbase = wid * rows_w
        pbase = wid * prow_w
        pltpu.sync_copy(ids_hbm.at[wid], idx_v)
        pltpu.sync_copy(ita_hbm.at[wid], pidx_v)

        pltpu.async_copy(word_hbm.at[idx_v.at[0]], bufa, sema)

        def tbody(g2, c):
            j = 2 * g2
            pltpu.async_copy(word_hbm.at[idx_v.at[j + 1]], bufb, semb)
            pltpu.make_async_copy(word_hbm.at[idx_v.at[j]], bufa, sema).wait()
            pltpu.sync_copy(bufa, g_hbm.at[pl.ds(gbase + j * _CH, _CH)])

            @pl.when(j + 2 < n_chunks)
            def _():
                pltpu.async_copy(word_hbm.at[idx_v.at[j + 2]], bufa, sema)

            pltpu.make_async_copy(
                word_hbm.at[idx_v.at[j + 1]], bufb, semb).wait()
            pltpu.sync_copy(bufb, g_hbm.at[pl.ds(gbase + (j + 1) * _CH, _CH)])
            return c

        lax.fori_loop(0, n_chunks // 2, tbody, 0)

        pltpu.async_copy(zero_hbm, acca, zsema)
        pltpu.async_copy(zero_hbm, accb, zsemb)

        def fire(j, accx, psx, zsx):
            pltpu.make_async_copy(zero_hbm, accx, zsx).wait()
            for a in range(align):
                pltpu.async_copy(
                    posz_hbm.at[pidx_v.at[j, a]], accx, psx, add=True)

        def drain_write(j, accx, psx):
            for a in range(align):
                pltpu.make_async_copy(zero_hbm, accx, psx).wait()
            pltpu.sync_copy(accx, p_hbm.at[pl.ds(pbase + j * _CH, _CH)])

        def pbody(g2, c):
            j = 2 * g2
            fire(j, acca, psema, zsema)
            fire(j + 1, accb, psemb, zsemb)
            drain_write(j, acca, psema)
            pltpu.async_copy(zero_hbm, acca, zsema)
            drain_write(j + 1, accb, psemb)
            pltpu.async_copy(zero_hbm, accb, zsemb)
            return c

        lax.fori_loop(0, n_pchunks // 2, pbody, 0)
        if n_pchunks % 2:
            j = n_pchunks - 1
            fire(j, acca, psema, zsema)
            drain_write(j, acca, psema)

    return k(ids3, itax, word_emb, pos_z, jnp.zeros((_CH, h), jnp.float32))


def _tc_body(g_ref, vis_ref, ttt_ref, vtt_ref, rms_ref, p_ref, pos_ref,
             aux_ref, w_ref, out_ref):
    l, grp, h = g_ref.shape
    v = vis_ref.shape[0]
    d = vis_ref.shape[2]

    type2 = aux_ref[0:2, :]
    pev0 = aux_ref[2:3, :]
    pb = aux_ref[3:4, :]
    gam = aux_ref[4:5, :][:, None, :]
    bet = aux_ref[5:6, :][:, None, :]

    def ln3(x):
        m = jnp.mean(x, axis=-1, keepdims=True)
        xc = x - m
        var = jnp.mean(xc * xc, axis=-1, keepdims=True)
        return xc * lax.rsqrt(var + 1e-12) * gam + bet

    dn = (((0,), (0,)), ((), ()))
    ttype = lax.dot_general(ttt_ref[0], type2, dn,
                            preferred_element_type=jnp.float32)
    text = g_ref[...] + pos_ref[...][:, None, :] + ttype.reshape(l, grp, h)

    vf = jnp.dot(vis_ref[...].reshape(v * grp, d).astype(jnp.bfloat16),
                 w_ref[...], preferred_element_type=jnp.float32)
    vtype = lax.dot_general(vtt_ref[0], type2, dn,
                            preferred_element_type=jnp.float32)
    rowi = lax.broadcasted_iota(jnp.int32, (v * grp, v * grp), 0)
    colj = lax.broadcasted_iota(jnp.int32, (v * grp, v * grp), 1)
    sel = jnp.where(colj == rowi,
                    jnp.broadcast_to(rms_ref[0], (v * grp, v * grp)), 0.0)
    pev = jnp.dot(sel, p_ref[...].reshape(v * grp, h),
                  preferred_element_type=jnp.float32)
    vis = vf + pev + vtype + (pb + pev0)

    out_ref[0:l] = ln3(text)
    out_ref[l:l + v] = ln3(vis.reshape(v, grp, h))


def kernel(input_ids, token_type_ids, visual_feats, visual_feature_type_ids,
           image_text_alignment, word_emb, pos_emb, type_emb, pos_emb_visual,
           proj_W, proj_b, ln_gamma, ln_beta):
    b, l = input_ids.shape
    v = visual_feats.shape[1]
    h = word_emb.shape[1]
    align = image_text_alignment.shape[2]

    ids3 = (input_ids.astype(jnp.int32).T
            .reshape(_NW, b * l // (_NW * _CH), _CH))
    itax = (image_text_alignment.astype(jnp.int32).transpose(1, 0, 2)
            .reshape(_NW, b * v // (_NW * _CH), _CH, align)
            .transpose(0, 1, 3, 2))
    pos_z = pos_emb.at[0].set(0.0)

    g, p = _sc_gather(ids3, itax, word_emb, pos_z)
    g = g.reshape(l, b, h)
    p = p.reshape(v, b, h)
    vis_t = visual_feats.transpose(1, 0, 2)

    grp = 32
    ng = b // grp
    two = jnp.arange(2, dtype=token_type_ids.dtype)
    ttt = (token_type_ids.T.reshape(l, ng, grp)[None]
           == two[:, None, None, None]).astype(jnp.float32)
    ttt = ttt.transpose(2, 0, 1, 3).reshape(ng, 2, l * grp)
    vtt = (visual_feature_type_ids.T.reshape(v, ng, grp)[None]
           == two[:, None, None, None]).astype(jnp.float32)
    vtt = vtt.transpose(2, 0, 1, 3).reshape(ng, 2, v * grp)
    msum = (image_text_alignment != 0).sum(axis=2).astype(jnp.float32)
    rms = (1.0 / jnp.maximum(msum, 1.0)).T.reshape(v, ng, grp)
    rms = rms.transpose(1, 0, 2).reshape(ng, 1, v * grp)

    aux = jnp.zeros((8, h), jnp.float32)
    aux = aux.at[0].set(type_emb[0]).at[1].set(type_emb[1])
    aux = aux.at[2].set(pos_emb_visual[0]).at[3].set(proj_b)
    aux = aux.at[4].set(ln_gamma).at[5].set(ln_beta)

    pos_l = pos_emb[:l]
    d = visual_feats.shape[2]

    out = pl.pallas_call(
        _tc_body,
        grid=(ng,),
        in_specs=[
            pl.BlockSpec((l, grp, h), lambda i: (0, i, 0)),
            pl.BlockSpec((v, grp, d), lambda i: (0, i, 0)),
            pl.BlockSpec((1, 2, grp * l), lambda i: (i, 0, 0)),
            pl.BlockSpec((1, 2, grp * v), lambda i: (i, 0, 0)),
            pl.BlockSpec((1, 1, grp * v), lambda i: (i, 0, 0)),
            pl.BlockSpec((v, grp, h), lambda i: (0, i, 0)),
            pl.BlockSpec((l, h), lambda i: (0, 0)),
            pl.BlockSpec((8, h), lambda i: (0, 0)),
            pl.BlockSpec((d, h), lambda i: (0, 0)),
        ],
        out_specs=pl.BlockSpec((l + v, grp, h), lambda i: (0, i, 0)),
        out_shape=jax.ShapeDtypeStruct((l + v, b, h), jnp.float32),
        compiler_params=pltpu.CompilerParams(
            dimension_semantics=("arbitrary",)),
    )(g, vis_t, ttt, vtt, rms, p, pos_l, aux,
      proj_W.astype(jnp.bfloat16))
    return jnp.transpose(out, (1, 0, 2))

# --- scband reference (transcript-rebuilt; emitter-appended) ---
"""Pipeline reference for scband-visual-bert-multi-modal-embeddings-34574486733328 (READ-ONLY COPY).

The authoritative reference and input builder live on the scoring server;
editing this copy changes nothing except your own understanding.
"""

import jax, jax.numpy as jnp
import numpy as np

VOCAB = 100000
HIDDEN = 128
MAX_POS = 512
TYPE_VOCAB = 2
VIS_FEAT_DIM = 1024
B, L, V = 1024, 200, 36
ALIGN = 4


def setup_inputs(seed: int = 0) -> dict:
    key = jax.random.key(seed)
    ks = jax.random.split(key, 12)
    input_ids = jax.random.randint(ks[0], (B, L), 0, VOCAB, dtype=jnp.int64 if jax.config.jax_enable_x64 else jnp.int32)
    token_type_ids = jax.random.randint(ks[1], (B, L), 0, TYPE_VOCAB)
    visual_feats = jax.random.normal(ks[2], (B, V, VIS_FEAT_DIM), dtype=jnp.float32)
    visual_feature_type_ids = jax.random.randint(ks[3], (B, V), 0, TYPE_VOCAB)
    image_text_alignment = jax.random.randint(ks[4], (B, V, ALIGN), 0, MAX_POS)
    word_emb = jax.random.normal(ks[5], (VOCAB, HIDDEN), dtype=jnp.float32) * 0.02
    pos_emb = jax.random.normal(ks[6], (MAX_POS, HIDDEN), dtype=jnp.float32) * 0.02
    type_emb = jax.random.normal(ks[7], (TYPE_VOCAB, HIDDEN), dtype=jnp.float32) * 0.02
    pos_emb_visual = jax.random.normal(ks[8], (MAX_POS, HIDDEN), dtype=jnp.float32) * 0.02
    proj_W = jax.random.normal(ks[9], (VIS_FEAT_DIM, HIDDEN), dtype=jnp.float32) * (1.0 / np.sqrt(VIS_FEAT_DIM))
    proj_b = jnp.zeros((HIDDEN,), dtype=jnp.float32)
    ln_gamma = jnp.ones((HIDDEN,), dtype=jnp.float32)
    ln_beta = jnp.zeros((HIDDEN,), dtype=jnp.float32)
    return {
        'input_ids': input_ids,
        'token_type_ids': token_type_ids,
        'visual_feats': visual_feats,
        'visual_feature_type_ids': visual_feature_type_ids,
        'image_text_alignment': image_text_alignment,
        'word_emb': word_emb,
        'pos_emb': pos_emb,
        'type_emb': type_emb,
        'pos_emb_visual': pos_emb_visual,
        'proj_W': proj_W,
        'proj_b': proj_b,
        'ln_gamma': ln_gamma,
        'ln_beta': ln_beta,
    }


def _layer_norm(x, gamma, beta, eps=1e-12):
    mean = jnp.mean(x, axis=-1, keepdims=True)
    var = jnp.mean((x - mean) ** 2, axis=-1, keepdims=True)
    return (x - mean) / jnp.sqrt(var + eps) * gamma + beta


def reference(input_ids, token_type_ids, visual_feats, visual_feature_type_ids,
              image_text_alignment, word_emb, pos_emb, type_emb, pos_emb_visual,
              proj_W, proj_b, ln_gamma, ln_beta):
    b, seq_len = input_ids.shape
    # encode_text
    position_ids = jnp.broadcast_to(jnp.arange(seq_len)[None, :], (b, seq_len))
    words_embeddings = jnp.take(word_emb, input_ids, axis=0)
    position_embeddings = jnp.take(pos_emb, position_ids, axis=0)
    token_type_embeddings = jnp.take(type_emb, token_type_ids, axis=0)
    text_embeddings = words_embeddings + position_embeddings + token_type_embeddings
    # encode_image (add_boxes=False, visual_pos=None)
    vf = jnp.einsum('bvd,dh->bvh', visual_feats, proj_W) + proj_b
    token_type_embeddings_visual = jnp.take(type_emb, visual_feature_type_ids, axis=0)
    # get_position_embeddings_visual with image_text_alignment (pad_token_id=0)
    mask = (image_text_alignment != 0).astype(jnp.int32)
    ita = mask * image_text_alignment
    pev = jnp.take(pos_emb, ita, axis=0) * mask[..., None].astype(pos_emb.dtype)
    pev = pev.sum(axis=2)
    msum = mask.sum(axis=2)
    msum = jnp.where(msum == 0, 1, msum)
    pev = pev / msum[..., None].astype(pev.dtype)
    position_ids_visual = jnp.zeros(visual_feats.shape[:-1], dtype=jnp.int32)
    pev = pev + jnp.take(pos_emb_visual, position_ids_visual, axis=0)
    v_embeddings = vf + pev + token_type_embeddings_visual
    embeddings = jnp.concatenate([text_embeddings, v_embeddings], axis=1)
    embeddings = _layer_norm(embeddings, ln_gamma, ln_beta)
    # dropout is identity in eval
    return embeddings

if __name__ == "__main__":
    import jax
    _d = setup_inputs()
    print(jax.jit(kernel)(*tuple(_d.values())))

</pallas_src>

<mosaic_0001>
#map = affine_map<(d0, d1) -> (0, 0, 0)>
#map1 = affine_map<(d0, d1) -> (0, 0, 0, 0)>
#map2 = affine_map<(d0, d1) -> (0, 0)>
module attributes {stable_mosaic.version = 14 : i64} {
  func.func @k(%arg0: i32, %arg1: i32, %arg2: memref<32x50x128xi32, #tpu.memory_space<hbm>>, %arg3: memref<32x9x4x128xi32, #tpu.memory_space<hbm>>, %arg4: memref<100000x128xf32, #tpu.memory_space<hbm>>, %arg5: memref<512x128xf32, #tpu.memory_space<hbm>>, %arg6: memref<128x128xf32, #tpu.memory_space<hbm>>, %arg7: memref<204800x128xf32, #tpu.memory_space<hbm>>, %arg8: memref<36864x128xf32, #tpu.memory_space<hbm>>, %arg9: memref<50x128xi32, #tpu.memory_space<vmem>>, %arg10: memref<9x4x128xi32, #tpu.memory_space<vmem>>, %arg11: memref<128x128xf32, #tpu.memory_space<vmem>>, %arg12: memref<128x128xf32, #tpu.memory_space<vmem>>, %arg13: memref<128x128xf32, #tpu.memory_space<vmem>>, %arg14: memref<128x128xf32, #tpu.memory_space<vmem>>, %arg15: memref<!tpu.dma_semaphore, #tpu.memory_space<semaphore_mem>>, %arg16: memref<!tpu.dma_semaphore, #tpu.memory_space<semaphore_mem>>, %arg17: memref<!tpu.dma_semaphore, #tpu.memory_space<semaphore_mem>>, %arg18: memref<!tpu.dma_semaphore, #tpu.memory_space<semaphore_mem>>, %arg19: memref<!tpu.dma_semaphore, #tpu.memory_space<semaphore_mem>>, %arg20: memref<!tpu.dma_semaphore, #tpu.memory_space<semaphore_mem>>) attributes {dimension_semantics = [#tpu.dimension_semantics<core_parallel>, #tpu.dimension_semantics<subcore_parallel>], iteration_bounds = array<i64: 2, 16>, scalar_prefetch = 0 : i64, scratch_operands = 12 : i64, tpu.core_type = #tpu.core_type<sc_vector_subcore>, window_params = [{transform_indices = #map}, {transform_indices = #map1}, {transform_indices = #map2}, {transform_indices = #map2}, {transform_indices = #map2}, {transform_indices = #map2}, {transform_indices = #map2}]} {
    %mul3A = arith.constant 2 : i32
    %mul3A_0 = arith.muli %arg1, %mul3A : i32
    %add3A = arith.addi %mul3A_0, %arg0 : i32
    %mul3A_1 = arith.constant 6400 : i32
    %mul3A_2 = arith.muli %add3A, %mul3A_1 : i32
    %mul3A_3 = arith.constant 1152 : i32
    %mul3A_4 = arith.muli %add3A, %mul3A_3 : i32
    "tpu.region"() ({
      %run_scoped3A = tpu.sem_alloc : memref<!tpu.dma_semaphore, #tpu.memory_space<semaphore_mem>>
      %dma_start3A_56 = arith.constant 0 : i32
      %dma_start3A_57 = arith.constant 0 : i32
      %dma_start3A_58 = tpu.memref_slice %arg2[%add3A, %dma_start3A_56, %dma_start3A_57] : memref<32x50x128xi32, #tpu.memory_space<hbm>> -> memref<1x50x128xi32, #tpu.memory_space<hbm>>
      %dma_start3A_59 = tpu.memref_squeeze %dma_start3A_58 : memref<1x50x128xi32, #tpu.memory_space<hbm>> -> memref<50x128xi32, #tpu.memory_space<hbm>>
      %dma_start3A_60 = arith.constant 0 : i32
      %dma_start3A_61 = arith.constant 0 : i32
      %dma_start3A_62 = tpu.memref_slice %arg2[%add3A, %dma_start3A_60, %dma_start3A_61] : memref<32x50x128xi32, #tpu.memory_space<hbm>> -> memref<1x50x128xi32, #tpu.memory_space<hbm>>
      %dma_start3A_63 = tpu.memref_squeeze %dma_start3A_62 : memref<1x50x128xi32, #tpu.memory_space<hbm>> -> memref<50x128xi32, #tpu.memory_space<hbm>>
      tpu.enqueue_dma source(%dma_start3A_63 : memref<50x128xi32, #tpu.memory_space<hbm>>) target(%arg9 : memref<50x128xi32, #tpu.memory_space<vmem>>) target_semaphore(%run_scoped3A : memref<!tpu.dma_semaphore, #tpu.memory_space<semaphore_mem>>)
      %dma_wait3A = arith.constant 0 : i32
      %dma_wait3A_64 = arith.constant 0 : i32
      %dma_wait3A_65 = tpu.memref_slice %arg2[%add3A, %dma_wait3A, %dma_wait3A_64] : memref<32x50x128xi32, #tpu.memory_space<hbm>> -> memref<1x50x128xi32, #tpu.memory_space<hbm>>
      %dma_wait3A_66 = tpu.memref_squeeze %dma_wait3A_65 : memref<1x50x128xi32, #tpu.memory_space<hbm>> -> memref<50x128xi32, #tpu.memory_space<hbm>>
      %dma_wait3A_67 = arith.constant 0 : i32
      %dma_wait3A_68 = arith.constant 0 : i32
      %dma_wait3A_69 = tpu.memref_slice %arg2[%add3A, %dma_wait3A_67, %dma_wait3A_68] : memref<32x50x128xi32, #tpu.memory_space<hbm>> -> memref<1x50x128xi32, #tpu.memory_space<hbm>>
      %dma_wait3A_70 = tpu.memref_squeeze %dma_wait3A_69 : memref<1x50x128xi32, #tpu.memory_space<hbm>> -> memref<50x128xi32, #tpu.memory_space<hbm>>
      tpu.wait_dma2 semaphore(%run_scoped3A : memref<!tpu.dma_semaphore, #tpu.memory_space<semaphore_mem>>) src(%dma_wait3A_70 : memref<50x128xi32, #tpu.memory_space<hbm>>) dst(%arg9 : memref<50x128xi32, #tpu.memory_space<vmem>>)
      tpu.yield
    }) : () -> ()
    "tpu.region"() ({
      %run_scoped3A = tpu.sem_alloc : memref<!tpu.dma_semaphore, #tpu.memory_space<semaphore_mem>>
      %dma_start3A_56 = arith.constant 0 : i32
      %dma_start3A_57 = arith.constant 0 : i32
      %dma_start3A_58 = arith.constant 0 : i32
      %dma_start3A_59 = tpu.memref_slice %arg3[%add3A, %dma_start3A_56, %dma_start3A_57, %dma_start3A_58] : memref<32x9x4x128xi32, #tpu.memory_space<hbm>> -> memref<1x9x4x128xi32, #tpu.memory_space<hbm>>
      %dma_start3A_60 = tpu.memref_squeeze %dma_start3A_59 : memref<1x9x4x128xi32, #tpu.memory_space<hbm>> -> memref<9x4x128xi32, #tpu.memory_space<hbm>>
      %dma_start3A_61 = arith.constant 0 : i32
      %dma_start3A_62 = arith.constant 0 : i32
      %dma_start3A_63 = arith.constant 0 : i32
      %dma_start3A_64 = tpu.memref_slice %arg3[%add3A, %dma_start3A_61, %dma_start3A_62, %dma_start3A_63] : memref<32x9x4x128xi32, #tpu.memory_space<hbm>> -> memref<1x9x4x128xi32, #tpu.memory_space<hbm>>
      %dma_start3A_65 = tpu.memref_squeeze %dma_start3A_64 : memref<1x9x4x128xi32, #tpu.memory_space<hbm>> -> memref<9x4x128xi32, #tpu.memory_space<hbm>>
      tpu.enqueue_dma source(%dma_start3A_65 : memref<9x4x128xi32, #tpu.memory_space<hbm>>) target(%arg10 : memref<9x4x128xi32, #tpu.memory_space<vmem>>) target_semaphore(%run_scoped3A : memref<!tpu.dma_semaphore, #tpu.memory_space<semaphore_mem>>)
      %dma_wait3A = arith.constant 0 : i32
      %dma_wait3A_66 = arith.constant 0 : i32
      %dma_wait3A_67 = arith.constant 0 : i32
      %dma_wait3A_68 = tpu.memref_slice %arg3[%add3A, %dma_wait3A, %dma_wait3A_66, %dma_wait3A_67] : memref<32x9x4x128xi32, #tpu.memory_space<hbm>> -> memref<1x9x4x128xi32, #tpu.memory_space<hbm>>
      %dma_wait3A_69 = tpu.memref_squeeze %dma_wait3A_68 : memref<1x9x4x128xi32, #tpu.memory_space<hbm>> -> memref<9x4x128xi32, #tpu.memory_space<hbm>>
      %dma_wait3A_70 = arith.constant 0 : i32
      %dma_wait3A_71 = arith.constant 0 : i32
      %dma_wait3A_72 = arith.constant 0 : i32
      %dma_wait3A_73 = tpu.memref_slice %arg3[%add3A, %dma_wait3A_70, %dma_wait3A_71, %dma_wait3A_72] : memref<32x9x4x128xi32, #tpu.memory_space<hbm>> -> memref<1x9x4x128xi32, #tpu.memory_space<hbm>>
      %dma_wait3A_74 = tpu.memref_squeeze %dma_wait3A_73 : memref<1x9x4x128xi32, #tpu.memory_space<hbm>> -> memref<9x4x128xi32, #tpu.memory_space<hbm>>
      tpu.wait_dma2 semaphore(%run_scoped3A : memref<!tpu.dma_semaphore, #tpu.memory_space<semaphore_mem>>) src(%dma_wait3A_74 : memref<9x4x128xi32, #tpu.memory_space<hbm>>) dst(%arg10 : memref<9x4x128xi32, #tpu.memory_space<vmem>>)
      tpu.yield
    }) : () -> ()
    %dma_start3A = arith.constant 0 : i32
    %dma_start3A_5 = arith.constant 0 : i32
    %dma_start3A_6 = tpu.memref_slice %arg9[%dma_start3A, %dma_start3A_5] : memref<50x128xi32, #tpu.memory_space<vmem>> -> memref<1x128xi32, #tpu.memory_space<vmem>>
    %dma_start3A_7 = tpu.memref_squeeze %dma_start3A_6 : memref<1x128xi32, #tpu.memory_space<vmem>> -> memref<128xi32, #tpu.memory_space<vmem>>
    %dma_start3A_8 = arith.constant 0 : i32
    %dma_start3A_9 = arith.constant 0 : i32
    %dma_start3A_10 = tpu.memref_slice %arg4[%dma_start3A_8, %dma_start3A_9] : memref<100000x128xf32, #tpu.memory_space<hbm>> -> memref<100000x128xf32, #tpu.memory_space<hbm>>
    tpu.enqueue_indirect_dma source(%dma_start3A_10 : memref<100000x128xf32, #tpu.memory_space<hbm>>) target(%arg11 : memref<128x128xf32, #tpu.memory_space<vmem>>) offsets(%dma_start3A_7 : memref<128xi32, #tpu.memory_space<vmem>>) semaphore(%arg15 : memref<!tpu.dma_semaphore, #tpu.memory_space<semaphore_mem>>)
    %scan3A = arith.constant 0 : i32
    %scan3A_11 = arith.constant 0 : i32
    %scan3A_12 = arith.constant 25 : i32
    %scan3A_13 = arith.addi %scan3A_11, %scan3A_12 : i32
    %scan3A_14 = arith.constant 1 : i32
    scf.for %scan3A_56 = %scan3A_11 to %scan3A_13 step %scan3A_14  : i32 {
      %mul3A_57 = arith.constant 2 : i32
      %mul3A_58 = arith.muli %mul3A_57, %scan3A_56 : i32
      %add3A_59 = arith.constant 1 : i32
      %add3A_60 = arith.addi %mul3A_58, %add3A_59 : i32
      %dma_start3A_61 = arith.constant 0 : i32
      %dma_start3A_62 = tpu.memref_slice %arg9[%add3A_60, %dma_start3A_61] : memref<50x128xi32, #tpu.memory_space<vmem>> -> memref<1x128xi32, #tpu.memory_space<vmem>>
      %dma_start3A_63 = tpu.memref_squeeze %dma_start3A_62 : memref<1x128xi32, #tpu.memory_space<vmem>> -> memref<128xi32, #tpu.memory_space<vmem>>
      %dma_start3A_64 = arith.constant 0 : i32
      %dma_start3A_65 = arith.constant 0 : i32
      %dma_start3A_66 = tpu.memref_slice %arg4[%dma_start3A_64, %dma_start3A_65] : memref<100000x128xf32, #tpu.memory_space<hbm>> -> memref<100000x128xf32, #tpu.memory_space<hbm>>
      tpu.enqueue_indirect_dma source(%dma_start3A_66 : memref<100000x128xf32, #tpu.memory_space<hbm>>) target(%arg12 : memref<128x128xf32, #tpu.memory_space<vmem>>) offsets(%dma_start3A_63 : memref<128xi32, #tpu.memory_space<vmem>>) semaphore(%arg16 : memref<!tpu.dma_semaphore, #tpu.memory_space<semaphore_mem>>)
      %dma_wait3A = arith.constant 0 : i32
      %dma_wait3A_67 = tpu.memref_slice %arg9[%mul3A_58, %dma_wait3A] : memref<50x128xi32, #tpu.memory_space<vmem>> -> memref<1x128xi32, #tpu.memory_space<vmem>>
      %dma_wait3A_68 = tpu.memref_squeeze %dma_wait3A_67 : memref<1x128xi32, #tpu.memory_space<vmem>> -> memref<128xi32, #tpu.memory_space<vmem>>
      %dma_wait3A_69 = arith.constant 0 : i32
      %dma_wait3A_70 = arith.constant 0 : i32
      %dma_wait3A_71 = tpu.memref_slice %arg4[%dma_wait3A_69, %dma_wait3A_70] : memref<100000x128xf32, #tpu.memory_space<hbm>> -> memref<100000x128xf32, #tpu.memory_space<hbm>>
      tpu.wait_indirect_dma semaphore(%arg15 : memref<!tpu.dma_semaphore, #tpu.memory_space<semaphore_mem>>) src(%dma_wait3A_71 : memref<100000x128xf32, #tpu.memory_space<hbm>>) dst(%arg11 : memref<128x128xf32, #tpu.memory_space<vmem>>)
      %mul3A_72 = arith.constant 128 : i32
      %mul3A_73 = arith.muli %mul3A_58, %mul3A_72 : i32
      %add3A_74 = arith.addi %mul3A_2, %mul3A_73 : i32
      "tpu.region"() ({
        %run_scoped3A = tpu.sem_alloc : memref<!tpu.dma_semaphore, #tpu.memory_space<semaphore_mem>>
        %dma_start3A_92 = arith.constant 0 : i32
        %dma_start3A_93 = tpu.memref_slice %arg7[%add3A_74, %dma_start3A_92] : memref<204800x128xf32, #tpu.memory_space<hbm>> -> memref<128x128xf32, #tpu.memory_space<hbm>>
        %dma_start3A_94 = arith.constant 0 : i32
        %dma_start3A_95 = tpu.memref_slice %arg7[%add3A_74, %dma_start3A_94] : memref<204800x128xf32, #tpu.memory_space<hbm>> -> memref<128x128xf32, #tpu.memory_space<hbm>>
        tpu.enqueue_dma source(%arg11 : memref<128x128xf32, #tpu.memory_space<vmem>>) target(%dma_start3A_95 : memref<128x128xf32, #tpu.memory_space<hbm>>) target_semaphore(%run_scoped3A : memref<!tpu.dma_semaphore, #tpu.memory_space<semaphore_mem>>)
        %dma_wait3A_96 = arith.constant 0 : i32
        %dma_wait3A_97 = tpu.memref_slice %arg7[%add3A_74, %dma_wait3A_96] : memref<204800x128xf32, #tpu.memory_space<hbm>> -> memref<128x128xf32, #tpu.memory_space<hbm>>
        %dma_wait3A_98 = arith.constant 0 : i32
        %dma_wait3A_99 = tpu.memref_slice %arg7[%add3A_74, %dma_wait3A_98] : memref<204800x128xf32, #tpu.memory_space<hbm>> -> memref<128x128xf32, #tpu.memory_space<hbm>>
        tpu.wait_dma2 semaphore(%run_scoped3A : memref<!tpu.dma_semaphore, #tpu.memory_space<semaphore_mem>>) src(%arg11 : memref<128x128xf32, #tpu.memory_space<vmem>>) dst(%dma_wait3A_99 : memref<128x128xf32, #tpu.memory_space<hbm>>)
        tpu.yield
      }) : () -> ()
      %add3A_75 = arith.constant 2 : i32
      %add3A_76 = arith.addi %mul3A_58, %add3A_75 : i32
      %lt3A = arith.constant 50 : i32
      %lt3A_77 = arith.cmpi slt, %add3A_76, %lt3A : i32
      %convert_element_type3A = arith.extui %lt3A_77 : i1 to i32
      %cond3A = arith.constant 0 : i32
      %cond3A_78 = arith.cmpi ne, %convert_element_type3A, %cond3A : i32
      scf.if %cond3A_78 {
        %add3A_92 = arith.constant 2 : i32
        %add3A_93 = arith.addi %mul3A_58, %add3A_92 : i32
        %dma_start3A_94 = arith.constant 0 : i32
        %dma_start3A_95 = tpu.memref_slice %arg9[%add3A_93, %dma_start3A_94] : memref<50x128xi32, #tpu.memory_space<vmem>> -> memref<1x128xi32, #tpu.memory_space<vmem>>
        %dma_start3A_96 = tpu.memref_squeeze %dma_start3A_95 : memref<1x128xi32, #tpu.memory_space<vmem>> -> memref<128xi32, #tpu.memory_space<vmem>>
        %dma_start3A_97 = arith.constant 0 : i32
        %dma_start3A_98 = arith.constant 0 : i32
        %dma_start3A_99 = tpu.memref_slice %arg4[%dma_start3A_97, %dma_start3A_98] : memref<100000x128xf32, #tpu.memory_space<hbm>> -> memref<100000x128xf32, #tpu.memory_space<hbm>>
        tpu.enqueue_indirect_dma source(%dma_start3A_99 : memref<100000x128xf32, #tpu.memory_space<hbm>>) target(%arg11 : memref<128x128xf32, #tpu.memory_space<vmem>>) offsets(%dma_start3A_96 : memref<128xi32, #tpu.memory_space<vmem>>) semaphore(%arg15 : memref<!tpu.dma_semaphore, #tpu.memory_space<semaphore_mem>>)
      } else {
      }
      %add3A_79 = arith.constant 1 : i32
      %add3A_80 = arith.addi %mul3A_58, %add3A_79 : i32
      %dma_wait3A_81 = arith.constant 0 : i32
      %dma_wait3A_82 = tpu.memref_slice %arg9[%add3A_80, %dma_wait3A_81] : memref<50x128xi32, #tpu.memory_space<vmem>> -> memref<1x128xi32, #tpu.memory_space<vmem>>
      %dma_wait3A_83 = tpu.memref_squeeze %dma_wait3A_82 : memref<1x128xi32, #tpu.memory_space<vmem>> -> memref<128xi32, #tpu.memory_space<vmem>>
      %dma_wait3A_84 = arith.constant 0 : i32
      %dma_wait3A_85 = arith.constant 0 : i32
      %dma_wait3A_86 = tpu.memref_slice %arg4[%dma_wait3A_84, %dma_wait3A_85] : memref<100000x128xf32, #tpu.memory_space<hbm>> -> memref<100000x128xf32, #tpu.memory_space<hbm>>
      tpu.wait_indirect_dma semaphore(%arg16 : memref<!tpu.dma_semaphore, #tpu.memory_space<semaphore_mem>>) src(%dma_wait3A_86 : memref<100000x128xf32, #tpu.memory_space<hbm>>) dst(%arg12 : memref<128x128xf32, #tpu.memory_space<vmem>>)
      %add3A_87 = arith.constant 1 : i32
      %add3A_88 = arith.addi %mul3A_58, %add3A_87 : i32
      %mul3A_89 = arith.constant 128 : i32
      %mul3A_90 = arith.muli %add3A_88, %mul3A_89 : i32
      %add3A_91 = arith.addi %mul3A_2, %mul3A_90 : i32
      "tpu.region"() ({
        %run_scoped3A = tpu.sem_alloc : memref<!tpu.dma_semaphore, #tpu.memory_space<semaphore_mem>>
        %dma_start3A_92 = arith.constant 0 : i32
        %dma_start3A_93 = tpu.memref_slice %arg7[%add3A_91, %dma_start3A_92] : memref<204800x128xf32, #tpu.memory_space<hbm>> -> memref<128x128xf32, #tpu.memory_space<hbm>>
        %dma_start3A_94 = arith.constant 0 : i32
        %dma_start3A_95 = tpu.memref_slice %arg7[%add3A_91, %dma_start3A_94] : memref<204800x128xf32, #tpu.memory_space<hbm>> -> memref<128x128xf32, #tpu.memory_space<hbm>>
        tpu.enqueue_dma source(%arg12 : memref<128x128xf32, #tpu.memory_space<vmem>>) target(%dma_start3A_95 : memref<128x128xf32, #tpu.memory_space<hbm>>) target_semaphore(%run_scoped3A : memref<!tpu.dma_semaphore, #tpu.memory_space<semaphore_mem>>)
        %dma_wait3A_96 = arith.constant 0 : i32
        %dma_wait3A_97 = tpu.memref_slice %arg7[%add3A_91, %dma_wait3A_96] : memref<204800x128xf32, #tpu.memory_space<hbm>> -> memref<128x128xf32, #tpu.memory_space<hbm>>
        %dma_wait3A_98 = arith.constant 0 : i32
        %dma_wait3A_99 = tpu.memref_slice %arg7[%add3A_91, %dma_wait3A_98] : memref<204800x128xf32, #tpu.memory_space<hbm>> -> memref<128x128xf32, #tpu.memory_space<hbm>>
        tpu.wait_dma2 semaphore(%run_scoped3A : memref<!tpu.dma_semaphore, #tpu.memory_space<semaphore_mem>>) src(%arg12 : memref<128x128xf32, #tpu.memory_space<vmem>>) dst(%dma_wait3A_99 : memref<128x128xf32, #tpu.memory_space<hbm>>)
        tpu.yield
      }) : () -> ()
    }
    %scan3A_15 = arith.constant 25 : i32
    tpu.enqueue_dma source(%arg6 : memref<128x128xf32, #tpu.memory_space<hbm>>) target(%arg13 : memref<128x128xf32, #tpu.memory_space<vmem>>) target_semaphore(%arg19 : memref<!tpu.dma_semaphore, #tpu.memory_space<semaphore_mem>>)
    tpu.enqueue_dma source(%arg6 : memref<128x128xf32, #tpu.memory_space<hbm>>) target(%arg14 : memref<128x128xf32, #tpu.memory_space<vmem>>) target_semaphore(%arg20 : memref<!tpu.dma_semaphore, #tpu.memory_space<semaphore_mem>>)
    %scan3A_16 = arith.constant 0 : i32
    %scan3A_17 = arith.constant 0 : i32
    %scan3A_18 = arith.constant 4 : i32
    %scan3A_19 = arith.addi %scan3A_17, %scan3A_18 : i32
    %scan3A_20 = arith.constant 1 : i32
    scf.for %scan3A_56 = %scan3A_17 to %scan3A_19 step %scan3A_20  : i32 {
      %mul3A_57 = arith.constant 2 : i32
      %mul3A_58 = arith.muli %mul3A_57, %scan3A_56 : i32
      tpu.wait_dma2 semaphore(%arg19 : memref<!tpu.dma_semaphore, #tpu.memory_space<semaphore_mem>>) src(%arg6 : memref<128x128xf32, #tpu.memory_space<hbm>>) dst(%arg13 : memref<128x128xf32, #tpu.memory_space<vmem>>)
      %dma_start3A_59 = arith.constant 0 : i32
      %dma_start3A_60 = arith.constant 0 : i32
      %dma_start3A_61 = tpu.memref_slice %arg10[%mul3A_58, %dma_start3A_59, %dma_start3A_60] : memref<9x4x128xi32, #tpu.memory_space<vmem>> -> memref<1x1x128xi32, #tpu.memory_space<vmem>>
      %dma_start3A_62 = tpu.memref_squeeze %dma_start3A_61 : memref<1x1x128xi32, #tpu.memory_space<vmem>> -> memref<128xi32, #tpu.memory_space<vmem>>
      %dma_start3A_63 = arith.constant 0 : i32
      %dma_start3A_64 = arith.constant 0 : i32
      %dma_start3A_65 = tpu.memref_slice %arg5[%dma_start3A_63, %dma_start3A_64] : memref<512x128xf32, #tpu.memory_space<hbm>> -> memref<512x128xf32, #tpu.memory_space<hbm>>
      tpu.enqueue_indirect_dma source(%dma_start3A_65 : memref<512x128xf32, #tpu.memory_space<hbm>>) target(%arg13 : memref<128x128xf32, #tpu.memory_space<vmem>>) offsets(%dma_start3A_62 : memref<128xi32, #tpu.memory_space<vmem>>) semaphore(%arg17 : memref<!tpu.dma_semaphore, #tpu.memory_space<semaphore_mem>>) {add = true}
      %dma_start3A_66 = arith.constant 1 : i32
      %dma_start3A_67 = arith.constant 0 : i32
      %dma_start3A_68 = tpu.memref_slice %arg10[%mul3A_58, %dma_start3A_66, %dma_start3A_67] : memref<9x4x128xi32, #tpu.memory_space<vmem>> -> memref<1x1x128xi32, #tpu.memory_space<vmem>>
      %dma_start3A_69 = tpu.memref_squeeze %dma_start3A_68 : memref<1x1x128xi32, #tpu.memory_space<vmem>> -> memref<128xi32, #tpu.memory_space<vmem>>
      %dma_start3A_70 = arith.constant 0 : i32
      %dma_start3A_71 = arith.constant 0 : i32
      %dma_start3A_72 = tpu.memref_slice %arg5[%dma_start3A_70, %dma_start3A_71] : memref<512x128xf32, #tpu.memory_space<hbm>> -> memref<512x128xf32, #tpu.memory_space<hbm>>
      tpu.enqueue_indirect_dma source(%dma_start3A_72 : memref<512x128xf32, #tpu.memory_space<hbm>>) target(%arg13 : memref<128x128xf32, #tpu.memory_space<vmem>>) offsets(%dma_start3A_69 : memref<128xi32, #tpu.memory_space<vmem>>) semaphore(%arg17 : memref<!tpu.dma_semaphore, #tpu.memory_space<semaphore_mem>>) {add = true}
      %dma_start3A_73 = arith.constant 2 : i32
      %dma_start3A_74 = arith.constant 0 : i32
      %dma_start3A_75 = tpu.memref_slice %arg10[%mul3A_58, %dma_start3A_73, %dma_start3A_74] : memref<9x4x128xi32, #tpu.memory_space<vmem>> -> memref<1x1x128xi32, #tpu.memory_space<vmem>>
      %dma_start3A_76 = tpu.memref_squeeze %dma_start3A_75 : memref<1x1x128xi32, #tpu.memory_space<vmem>> -> memref<128xi32, #tpu.memory_space<vmem>>
      %dma_start3A_77 = arith.constant 0 : i32
      %dma_start3A_78 = arith.constant 0 : i32
      %dma_start3A_79 = tpu.memref_slice %arg5[%dma_start3A_77, %dma_start3A_78] : memref<512x128xf32, #tpu.memory_space<hbm>> -> memref<512x128xf32, #tpu.memory_space<hbm>>
      tpu.enqueue_indirect_dma source(%dma_start3A_79 : memref<512x128xf32, #tpu.memory_space<hbm>>) target(%arg13 : memref<128x128xf32, #tpu.memory_space<vmem>>) offsets(%dma_start3A_76 : memref<128xi32, #tpu.memory_space<vmem>>) semaphore(%arg17 : memref<!tpu.dma_semaphore, #tpu.memory_space<semaphore_mem>>) {add = true}
      %dma_start3A_80 = arith.constant 3 : i32
      %dma_start3A_81 = arith.constant 0 : i32
      %dma_start3A_82 = tpu.memref_slice %arg10[%mul3A_58, %dma_start3A_80, %dma_start3A_81] : memref<9x4x128xi32, #tpu.memory_space<vmem>> -> memref<1x1x128xi32, #tpu.memory_space<vmem>>
      %dma_start3A_83 = tpu.memref_squeeze %dma_start3A_82 : memref<1x1x128xi32, #tpu.memory_space<vmem>> -> memref<128xi32, #tpu.memory_space<vmem>>
      %dma_start3A_84 = arith.constant 0 : i32
      %dma_start3A_85 = arith.constant 0 : i32
      %dma_start3A_86 = tpu.memref_slice %arg5[%dma_start3A_84, %dma_start3A_85] : memref<512x128xf32, #tpu.memory_space<hbm>> -> memref<512x128xf32, #tpu.memory_space<hbm>>
      tpu.enqueue_indirect_dma source(%dma_start3A_86 : memref<512x128xf32, #tpu.memory_space<hbm>>) target(%arg13 : memref<128x128xf32, #tpu.memory_space<vmem>>) offsets(%dma_start3A_83 : memref<128xi32, #tpu.memory_space<vmem>>) semaphore(%arg17 : memref<!tpu.dma_semaphore, #tpu.memory_space<semaphore_mem>>) {add = true}
      %add3A_87 = arith.constant 1 : i32
      %add3A_88 = arith.addi %mul3A_58, %add3A_87 : i32
      tpu.wait_dma2 semaphore(%arg20 : memref<!tpu.dma_semaphore, #tpu.memory_space<semaphore_mem>>) src(%arg6 : memref<128x128xf32, #tpu.memory_space<hbm>>) dst(%arg14 : memref<128x128xf32, #tpu.memory_space<vmem>>)
      %dma_start3A_89 = arith.constant 0 : i32
      %dma_start3A_90 = arith.constant 0 : i32
      %dma_start3A_91 = tpu.memref_slice %arg10[%add3A_88, %dma_start3A_89, %dma_start3A_90] : memref<9x4x128xi32, #tpu.memory_space<vmem>> -> memref<1x1x128xi32, #tpu.memory_space<vmem>>
      %dma_start3A_92 = tpu.memref_squeeze %dma_start3A_91 : memref<1x1x128xi32, #tpu.memory_space<vmem>> -> memref<128xi32, #tpu.memory_space<vmem>>
      %dma_start3A_93 = arith.constant 0 : i32
      %dma_start3A_94 = arith.constant 0 : i32
      %dma_start3A_95 = tpu.memref_slice %arg5[%dma_start3A_93, %dma_start3A_94] : memref<512x128xf32, #tpu.memory_space<hbm>> -> memref<512x128xf32, #tpu.memory_space<hbm>>
      tpu.enqueue_indirect_dma source(%dma_start3A_95 : memref<512x128xf32, #tpu.memory_space<hbm>>) target(%arg14 : memref<128x128xf32, #tpu.memory_space<vmem>>) offsets(%dma_start3A_92 : memref<128xi32, #tpu.memory_space<vmem>>) semaphore(%arg18 : memref<!tpu.dma_semaphore, #tpu.memory_space<semaphore_mem>>) {add = true}
      %dma_start3A_96 = arith.constant 1 : i32
      %dma_start3A_97 = arith.constant 0 : i32
      %dma_start3A_98 = tpu.memref_slice %arg10[%add3A_88, %dma_start3A_96, %dma_start3A_97] : memref<9x4x128xi32, #tpu.memory_space<vmem>> -> memref<1x1x128xi32, #tpu.memory_space<vmem>>
      %dma_start3A_99 = tpu.memref_squeeze %dma_start3A_98 : memref<1x1x128xi32, #tpu.memory_space<vmem>> -> memref<128xi32, #tpu.memory_space<vmem>>
      %dma_start3A_100 = arith.constant 0 : i32
      %dma_start3A_101 = arith.constant 0 : i32
      %dma_start3A_102 = tpu.memref_slice %arg5[%dma_start3A_100, %dma_start3A_101] : memref<512x128xf32, #tpu.memory_space<hbm>> -> memref<512x128xf32, #tpu.memory_space<hbm>>
      tpu.enqueue_indirect_dma source(%dma_start3A_102 : memref<512x128xf32, #tpu.memory_space<hbm>>) target(%arg14 : memref<128x128xf32, #tpu.memory_space<vmem>>) offsets(%dma_start3A_99 : memref<128xi32, #tpu.memory_space<vmem>>) semaphore(%arg18 : memref<!tpu.dma_semaphore, #tpu.memory_space<semaphore_mem>>) {add = true}
      %dma_start3A_103 = arith.constant 2 : i32
      %dma_start3A_104 = arith.constant 0 : i32
      %dma_start3A_105 = tpu.memref_slice %arg10[%add3A_88, %dma_start3A_103, %dma_start3A_104] : memref<9x4x128xi32, #tpu.memory_space<vmem>> -> memref<1x1x128xi32, #tpu.memory_space<vmem>>
      %dma_start3A_106 = tpu.memref_squeeze %dma_start3A_105 : memref<1x1x128xi32, #tpu.memory_space<vmem>> -> memref<128xi32, #tpu.memory_space<vmem>>
      %dma_start3A_107 = arith.constant 0 : i32
      %dma_start3A_108 = arith.constant 0 : i32
      %dma_start3A_109 = tpu.memref_slice %arg5[%dma_start3A_107, %dma_start3A_108] : memref<512x128xf32, #tpu.memory_space<hbm>> -> memref<512x128xf32, #tpu.memory_space<hbm>>
      tpu.enqueue_indirect_dma source(%dma_start3A_109 : memref<512x128xf32, #tpu.memory_space<hbm>>) target(%arg14 : memref<128x128xf32, #tpu.memory_space<vmem>>) offsets(%dma_start3A_106 : memref<128xi32, #tpu.memory_space<vmem>>) semaphore(%arg18 : memref<!tpu.dma_semaphore, #tpu.memory_space<semaphore_mem>>) {add = true}
      %dma_start3A_110 = arith.constant 3 : i32
      %dma_start3A_111 = arith.constant 0 : i32
      %dma_start3A_112 = tpu.memref_slice %arg10[%add3A_88, %dma_start3A_110, %dma_start3A_111] : memref<9x4x128xi32, #tpu.memory_space<vmem>> -> memref<1x1x128xi32, #tpu.memory_space<vmem>>
      %dma_start3A_113 = tpu.memref_squeeze %dma_start3A_112 : memref<1x1x128xi32, #tpu.memory_space<vmem>> -> memref<128xi32, #tpu.memory_space<vmem>>
      %dma_start3A_114 = arith.constant 0 : i32
      %dma_start3A_115 = arith.constant 0 : i32
      %dma_start3A_116 = tpu.memref_slice %arg5[%dma_start3A_114, %dma_start3A_115] : memref<512x128xf32, #tpu.memory_space<hbm>> -> memref<512x128xf32, #tpu.memory_space<hbm>>
      tpu.enqueue_indirect_dma source(%dma_start3A_116 : memref<512x128xf32, #tpu.memory_space<hbm>>) target(%arg14 : memref<128x128xf32, #tpu.memory_space<vmem>>) offsets(%dma_start3A_113 : memref<128xi32, #tpu.memory_space<vmem>>) semaphore(%arg18 : memref<!tpu.dma_semaphore, #tpu.memory_space<semaphore_mem>>) {add = true}
      tpu.wait_dma2 semaphore(%arg17 : memref<!tpu.dma_semaphore, #tpu.memory_space<semaphore_mem>>) src(%arg6 : memref<128x128xf32, #tpu.memory_space<hbm>>) dst(%arg13 : memref<128x128xf32, #tpu.memory_space<vmem>>)
      tpu.wait_dma2 semaphore(%arg17 : memref<!tpu.dma_semaphore, #tpu.memory_space<semaphore_mem>>) src(%arg6 : memref<128x128xf32, #tpu.memory_space<hbm>>) dst(%arg13 : memref<128x128xf32, #tpu.memory_space<vmem>>)
      tpu.wait_dma2 semaphore(%arg17 : memref<!tpu.dma_semaphore, #tpu.memory_space<semaphore_mem>>) src(%arg6 : memref<128x128xf32, #tpu.memory_space<hbm>>) dst(%arg13 : memref<128x128xf32, #tpu.memory_space<vmem>>)
      tpu.wait_dma2 semaphore(%arg17 : memref<!tpu.dma_semaphore, #tpu.memory_space<semaphore_mem>>) src(%arg6 : memref<128x128xf32, #tpu.memory_space<hbm>>) dst(%arg13 : memref<128x128xf32, #tpu.memory_space<vmem>>)
      %mul3A_117 = arith.constant 128 : i32
      %mul3A_118 = arith.muli %mul3A_58, %mul3A_117 : i32
      %add3A_119 = arith.addi %mul3A_4, %mul3A_118 : i32
      "tpu.region"() ({
        %run_scoped3A = tpu.sem_alloc : memref<!tpu.dma_semaphore, #tpu.memory_space<semaphore_mem>>
        %dma_start3A_125 = arith.constant 0 : i32
        %dma_start3A_126 = tpu.memref_slice %arg8[%add3A_119, %dma_start3A_125] : memref<36864x128xf32, #tpu.memory_space<hbm>> -> memref<128x128xf32, #tpu.memory_space<hbm>>
        %dma_start3A_127 = arith.constant 0 : i32
        %dma_start3A_128 = tpu.memref_slice %arg8[%add3A_119, %dma_start3A_127] : memref<36864x128xf32, #tpu.memory_space<hbm>> -> memref<128x128xf32, #tpu.memory_space<hbm>>
        tpu.enqueue_dma source(%arg13 : memref<128x128xf32, #tpu.memory_space<vmem>>) target(%dma_start3A_128 : memref<128x128xf32, #tpu.memory_space<hbm>>) target_semaphore(%run_scoped3A : memref<!tpu.dma_semaphore, #tpu.memory_space<semaphore_mem>>)
        %dma_wait3A = arith.constant 0 : i32
        %dma_wait3A_129 = tpu.memref_slice %arg8[%add3A_119, %dma_wait3A] : memref<36864x128xf32, #tpu.memory_space<hbm>> -> memref<128x128xf32, #tpu.memory_space<hbm>>
        %dma_wait3A_130 = arith.constant 0 : i32
        %dma_wait3A_131 = tpu.memref_slice %arg8[%add3A_119, %dma_wait3A_130] : memref<36864x128xf32, #tpu.memory_space<hbm>> -> memref<128x128xf32, #tpu.memory_space<hbm>>
        tpu.wait_dma2 semaphore(%run_scoped3A : memref<!tpu.dma_semaphore, #tpu.memory_space<semaphore_mem>>) src(%arg13 : memref<128x128xf32, #tpu.memory_space<vmem>>) dst(%dma_wait3A_131 : memref<128x128xf32, #tpu.memory_space<hbm>>)
        tpu.yield
      }) : () -> ()
      tpu.enqueue_dma source(%arg6 : memref<128x128xf32, #tpu.memory_space<hbm>>) target(%arg13 : memref<128x128xf32, #tpu.memory_space<vmem>>) target_semaphore(%arg19 : memref<!tpu.dma_semaphore, #tpu.memory_space<semaphore_mem>>)
      %add3A_120 = arith.constant 1 : i32
      %add3A_121 = arith.addi %mul3A_58, %add3A_120 : i32
      tpu.wait_dma2 semaphore(%arg18 : memref<!tpu.dma_semaphore, #tpu.memory_space<semaphore_mem>>) src(%arg6 : memref<128x128xf32, #tpu.memory_space<hbm>>) dst(%arg14 : memref<128x128xf32, #tpu.memory_space<vmem>>)
      tpu.wait_dma2 semaphore(%arg18 : memref<!tpu.dma_semaphore, #tpu.memory_space<semaphore_mem>>) src(%arg6 : memref<128x128xf32, #tpu.memory_space<hbm>>) dst(%arg14 : memref<128x128xf32, #tpu.memory_space<vmem>>)
      tpu.wait_dma2 semaphore(%arg18 : memref<!tpu.dma_semaphore, #tpu.memory_space<semaphore_mem>>) src(%arg6 : memref<128x128xf32, #tpu.memory_space<hbm>>) dst(%arg14 : memref<128x128xf32, #tpu.memory_space<vmem>>)
      tpu.wait_dma2 semaphore(%arg18 : memref<!tpu.dma_semaphore, #tpu.memory_space<semaphore_mem>>) src(%arg6 : memref<128x128xf32, #tpu.memory_space<hbm>>) dst(%arg14 : memref<128x128xf32, #tpu.memory_space<vmem>>)
      %mul3A_122 = arith.constant 128 : i32
      %mul3A_123 = arith.muli %add3A_121, %mul3A_122 : i32
      %add3A_124 = arith.addi %mul3A_4, %mul3A_123 : i32
      "tpu.region"() ({
        %run_scoped3A = tpu.sem_alloc : memref<!tpu.dma_semaphore, #tpu.memory_space<semaphore_mem>>
        %dma_start3A_125 = arith.constant 0 : i32
        %dma_start3A_126 = tpu.memref_slice %arg8[%add3A_124, %dma_start3A_125] : memref<36864x128xf32, #tpu.memory_space<hbm>> -> memref<128x128xf32, #tpu.memory_space<hbm>>
        %dma_start3A_127 = arith.constant 0 : i32
        %dma_start3A_128 = tpu.memref_slice %arg8[%add3A_124, %dma_start3A_127] : memref<36864x128xf32, #tpu.memory_space<hbm>> -> memref<128x128xf32, #tpu.memory_space<hbm>>
        tpu.enqueue_dma source(%arg14 : memref<128x128xf32, #tpu.memory_space<vmem>>) target(%dma_start3A_128 : memref<128x128xf32, #tpu.memory_space<hbm>>) target_semaphore(%run_scoped3A : memref<!tpu.dma_semaphore, #tpu.memory_space<semaphore_mem>>)
        %dma_wait3A = arith.constant 0 : i32
        %dma_wait3A_129 = tpu.memref_slice %arg8[%add3A_124, %dma_wait3A] : memref<36864x128xf32, #tpu.memory_space<hbm>> -> memref<128x128xf32, #tpu.memory_space<hbm>>
        %dma_wait3A_130 = arith.constant 0 : i32
        %dma_wait3A_131 = tpu.memref_slice %arg8[%add3A_124, %dma_wait3A_130] : memref<36864x128xf32, #tpu.memory_space<hbm>> -> memref<128x128xf32, #tpu.memory_space<hbm>>
        tpu.wait_dma2 semaphore(%run_scoped3A : memref<!tpu.dma_semaphore, #tpu.memory_space<semaphore_mem>>) src(%arg14 : memref<128x128xf32, #tpu.memory_space<vmem>>) dst(%dma_wait3A_131 : memref<128x128xf32, #tpu.memory_space<hbm>>)
        tpu.yield
      }) : () -> ()
      tpu.enqueue_dma source(%arg6 : memref<128x128xf32, #tpu.memory_space<hbm>>) target(%arg14 : memref<128x128xf32, #tpu.memory_space<vmem>>) target_semaphore(%arg20 : memref<!tpu.dma_semaphore, #tpu.memory_space<semaphore_mem>>)
    }
    %scan3A_21 = arith.constant 4 : i32
    tpu.wait_dma2 semaphore(%arg19 : memref<!tpu.dma_semaphore, #tpu.memory_space<semaphore_mem>>) src(%arg6 : memref<128x128xf32, #tpu.memory_space<hbm>>) dst(%arg13 : memref<128x128xf32, #tpu.memory_space<vmem>>)
    %dma_start3A_22 = arith.constant 8 : i32
    %dma_start3A_23 = arith.constant 0 : i32
    %dma_start3A_24 = arith.constant 0 : i32
    %dma_start3A_25 = tpu.memref_slice %arg10[%dma_start3A_22, %dma_start3A_23, %dma_start3A_24] : memref<9x4x128xi32, #tpu.memory_space<vmem>> -> memref<1x1x128xi32, #tpu.memory_space<vmem>>
    %dma_start3A_26 = tpu.memref_squeeze %dma_start3A_25 : memref<1x1x128xi32, #tpu.memory_space<vmem>> -> memref<128xi32, #tpu.memory_space<vmem>>
    %dma_start3A_27 = arith.constant 0 : i32
    %dma_start3A_28 = arith.constant 0 : i32
    %dma_start3A_29 = tpu.memref_slice %arg5[%dma_start3A_27, %dma_start3A_28] : memref<512x128xf32, #tpu.memory_space<hbm>> -> memref<512x128xf32, #tpu.memory_space<hbm>>
    tpu.enqueue_indirect_dma source(%dma_start3A_29 : memref<512x128xf32, #tpu.memory_space<hbm>>) target(%arg13 : memref<128x128xf32, #tpu.memory_space<vmem>>) offsets(%dma_start3A_26 : memref<128xi32, #tpu.memory_space<vmem>>) semaphore(%arg17 : memref<!tpu.dma_semaphore, #tpu.memory_space<semaphore_mem>>) {add = true}
    %dma_start3A_30 = arith.constant 8 : i32
    %dma_start3A_31 = arith.constant 1 : i32
    %dma_start3A_32 = arith.constant 0 : i32
    %dma_start3A_33 = tpu.memref_slice %arg10[%dma_start3A_30, %dma_start3A_31, %dma_start3A_32] : memref<9x4x128xi32, #tpu.memory_space<vmem>> -> memref<1x1x128xi32, #tpu.memory_space<vmem>>
    %dma_start3A_34 = tpu.memref_squeeze %dma_start3A_33 : memref<1x1x128xi32, #tpu.memory_space<vmem>> -> memref<128xi32, #tpu.memory_space<vmem>>
    %dma_start3A_35 = arith.constant 0 : i32
    %dma_start3A_36 = arith.constant 0 : i32
    %dma_start3A_37 = tpu.memref_slice %arg5[%dma_start3A_35, %dma_start3A_36] : memref<512x128xf32, #tpu.memory_space<hbm>> -> memref<512x128xf32, #tpu.memory_space<hbm>>
    tpu.enqueue_indirect_dma source(%dma_start3A_37 : memref<512x128xf32, #tpu.memory_space<hbm>>) target(%arg13 : memref<128x128xf32, #tpu.memory_space<vmem>>) offsets(%dma_start3A_34 : memref<128xi32, #tpu.memory_space<vmem>>) semaphore(%arg17 : memref<!tpu.dma_semaphore, #tpu.memory_space<semaphore_mem>>) {add = true}
    %dma_start3A_38 = arith.constant 8 : i32
    %dma_start3A_39 = arith.constant 2 : i32
    %dma_start3A_40 = arith.constant 0 : i32
    %dma_start3A_41 = tpu.memref_slice %arg10[%dma_start3A_38, %dma_start3A_39, %dma_start3A_40] : memref<9x4x128xi32, #tpu.memory_space<vmem>> -> memref<1x1x128xi32, #tpu.memory_space<vmem>>
    %dma_start3A_42 = tpu.memref_squeeze %dma_start3A_41 : memref<1x1x128xi32, #tpu.memory_space<vmem>> -> memref<128xi32, #tpu.memory_space<vmem>>
    %dma_start3A_43 = arith.constant 0 : i32
    %dma_start3A_44 = arith.constant 0 : i32
    %dma_start3A_45 = tpu.memref_slice %arg5[%dma_start3A_43, %dma_start3A_44] : memref<512x128xf32, #tpu.memory_space<hbm>> -> memref<512x128xf32, #tpu.memory_space<hbm>>
    tpu.enqueue_indirect_dma source(%dma_start3A_45 : memref<512x128xf32, #tpu.memory_space<hbm>>) target(%arg13 : memref<128x128xf32, #tpu.memory_space<vmem>>) offsets(%dma_start3A_42 : memref<128xi32, #tpu.memory_space<vmem>>) semaphore(%arg17 : memref<!tpu.dma_semaphore, #tpu.memory_space<semaphore_mem>>) {add = true}
    %dma_start3A_46 = arith.constant 8 : i32
    %dma_start3A_47 = arith.constant 3 : i32
    %dma_start3A_48 = arith.constant 0 : i32
    %dma_start3A_49 = tpu.memref_slice %arg10[%dma_start3A_46, %dma_start3A_47, %dma_start3A_48] : memref<9x4x128xi32, #tpu.memory_space<vmem>> -> memref<1x1x128xi32, #tpu.memory_space<vmem>>
    %dma_start3A_50 = tpu.memref_squeeze %dma_start3A_49 : memref<1x1x128xi32, #tpu.memory_space<vmem>> -> memref<128xi32, #tpu.memory_space<vmem>>
    %dma_start3A_51 = arith.constant 0 : i32
    %dma_start3A_52 = arith.constant 0 : i32
    %dma_start3A_53 = tpu.memref_slice %arg5[%dma_start3A_51, %dma_start3A_52] : memref<512x128xf32, #tpu.memory_space<hbm>> -> memref<512x128xf32, #tpu.memory_space<hbm>>
    tpu.enqueue_indirect_dma source(%dma_start3A_53 : memref<512x128xf32, #tpu.memory_space<hbm>>) target(%arg13 : memref<128x128xf32, #tpu.memory_space<vmem>>) offsets(%dma_start3A_50 : memref<128xi32, #tpu.memory_space<vmem>>) semaphore(%arg17 : memref<!tpu.dma_semaphore, #tpu.memory_space<semaphore_mem>>) {add = true}
    tpu.wait_dma2 semaphore(%arg17 : memref<!tpu.dma_semaphore, #tpu.memory_space<semaphore_mem>>) src(%arg6 : memref<128x128xf32, #tpu.memory_space<hbm>>) dst(%arg13 : memref<128x128xf32, #tpu.memory_space<vmem>>)
    tpu.wait_dma2 semaphore(%arg17 : memref<!tpu.dma_semaphore, #tpu.memory_space<semaphore_mem>>) src(%arg6 : memref<128x128xf32, #tpu.memory_space<hbm>>) dst(%arg13 : memref<128x128xf32, #tpu.memory_space<vmem>>)
    tpu.wait_dma2 semaphore(%arg17 : memref<!tpu.dma_semaphore, #tpu.memory_space<semaphore_mem>>) src(%arg6 : memref<128x128xf32, #tpu.memory_space<hbm>>) dst(%arg13 : memref<128x128xf32, #tpu.memory_space<vmem>>)
    tpu.wait_dma2 semaphore(%arg17 : memref<!tpu.dma_semaphore, #tpu.memory_space<semaphore_mem>>) src(%arg6 : memref<128x128xf32, #tpu.memory_space<hbm>>) dst(%arg13 : memref<128x128xf32, #tpu.memory_space<vmem>>)
    %add3A_54 = arith.constant 1024 : i32
    %add3A_55 = arith.addi %mul3A_4, %add3A_54 : i32
    "tpu.region"() ({
      %run_scoped3A = tpu.sem_alloc : memref<!tpu.dma_semaphore, #tpu.memory_space<semaphore_mem>>
      %dma_start3A_56 = arith.constant 0 : i32
      %dma_start3A_57 = tpu.memref_slice %arg8[%add3A_55, %dma_start3A_56] : memref<36864x128xf32, #tpu.memory_space<hbm>> -> memref<128x128xf32, #tpu.memory_space<hbm>>
      %dma_start3A_58 = arith.constant 0 : i32
      %dma_start3A_59 = tpu.memref_slice %arg8[%add3A_55, %dma_start3A_58] : memref<36864x128xf32, #tpu.memory_space<hbm>> -> memref<128x128xf32, #tpu.memory_space<hbm>>
      tpu.enqueue_dma source(%arg13 : memref<128x128xf32, #tpu.memory_space<vmem>>) target(%dma_start3A_59 : memref<128x128xf32, #tpu.memory_space<hbm>>) target_semaphore(%run_scoped3A : memref<!tpu.dma_semaphore, #tpu.memory_space<semaphore_mem>>)
      %dma_wait3A = arith.constant 0 : i32
      %dma_wait3A_60 = tpu.memref_slice %arg8[%add3A_55, %dma_wait3A] : memref<36864x128xf32, #tpu.memory_space<hbm>> -> memref<128x128xf32, #tpu.memory_space<hbm>>
      %dma_wait3A_61 = arith.constant 0 : i32
      %dma_wait3A_62 = tpu.memref_slice %arg8[%add3A_55, %dma_wait3A_61] : memref<36864x128xf32, #tpu.memory_space<hbm>> -> memref<128x128xf32, #tpu.memory_space<hbm>>
      tpu.wait_dma2 semaphore(%run_scoped3A : memref<!tpu.dma_semaphore, #tpu.memory_space<semaphore_mem>>) src(%arg13 : memref<128x128xf32, #tpu.memory_space<vmem>>) dst(%dma_wait3A_62 : memref<128x128xf32, #tpu.memory_space<hbm>>)
      tpu.yield
    }) : () -> ()
    return
  }
}

module attributes {stable_mosaic.version = 14 : i64} {
  func.func @_tc_body(%arg0: i32, %arg1: memref<200x32x128xf32, #tpu.memory_space<vmem>>, %arg2: memref<36x32x1024xf32, #tpu.memory_space<vmem>>, %arg3: memref<1x2x6400xf32, #tpu.memory_space<vmem>>, %arg4: memref<1x2x1152xf32, #tpu.memory_space<vmem>>, %arg5: memref<1x1x1152xf32, #tpu.memory_space<vmem>>, %arg6: memref<36x32x128xf32, #tpu.memory_space<vmem>>, %arg7: memref<200x128xf32, #tpu.memory_space<vmem>>, %arg8: memref<8x128xf32, #tpu.memory_space<vmem>>, %arg9: memref<1024x128xbf16, #tpu.memory_space<vmem>>, %arg10: memref<236x32x128xf32, #tpu.memory_space<vmem>>) attributes {dimension_semantics = [#tpu.dimension_semantics<arbitrary>], iteration_bounds = array<i64: 32>, scalar_prefetch = 0 : i64, scratch_operands = 0 : i64, tpu.core_type = #tpu.core_type<tc>, window_params = [{transform_indices = @transform_0, window_bounds = array<i64: 200, 32, 128>}, {transform_indices = @transform_1, window_bounds = array<i64: 36, 32, 1024>}, {transform_indices = @transform_2, window_bounds = array<i64: 1, 2, 6400>}, {transform_indices = @transform_3, window_bounds = array<i64: 1, 2, 1152>}, {transform_indices = @transform_4, window_bounds = array<i64: 1, 1, 1152>}, {transform_indices = @transform_5, window_bounds = array<i64: 36, 32, 128>}, {pipeline_mode = #tpu.pipeline_mode<synchronous>, transform_indices = @transform_6, window_bounds = array<i64: 200, 128>}, {pipeline_mode = #tpu.pipeline_mode<synchronous>, transform_indices = @transform_7, window_bounds = array<i64: 8, 128>}, {pipeline_mode = #tpu.pipeline_mode<synchronous>, transform_indices = @transform_8, window_bounds = array<i64: 1024, 128>}, {transform_indices = @transform_9, window_bounds = array<i64: 236, 32, 128>}]} {
    %get3A = arith.constant 0 : index
    %get3A_0 = arith.constant 0 : index
    %get3A_1 = vector.load %arg8[%get3A, %get3A_0] : memref<8x128xf32, #tpu.memory_space<vmem>>, vector<2x128xf32>
    %get3A_2 = arith.constant 2 : index
    %get3A_3 = arith.constant 0 : index
    %get3A_4 = vector.load %arg8[%get3A_2, %get3A_3] : memref<8x128xf32, #tpu.memory_space<vmem>>, vector<1x128xf32>
    %get3A_5 = arith.constant 3 : index
    %get3A_6 = arith.constant 0 : index
    %get3A_7 = vector.load %arg8[%get3A_5, %get3A_6] : memref<8x128xf32, #tpu.memory_space<vmem>>, vector<1x128xf32>
    %get3A_8 = arith.constant 4 : index
    %get3A_9 = arith.constant 0 : index
    %get3A_10 = vector.load %arg8[%get3A_8, %get3A_9] : memref<8x128xf32, #tpu.memory_space<vmem>>, vector<1x128xf32>
    %broadcast_in_dim3A = vector.shape_cast %get3A_10 : vector<1x128xf32> to vector<1x1x128xf32>
    %get3A_11 = arith.constant 5 : index
    %get3A_12 = arith.constant 0 : index
    %get3A_13 = vector.load %arg8[%get3A_11, %get3A_12] : memref<8x128xf32, #tpu.memory_space<vmem>>, vector<1x128xf32>
    %broadcast_in_dim3A_14 = vector.shape_cast %get3A_13 : vector<1x128xf32> to vector<1x1x128xf32>
    %get3A_15 = arith.constant 0 : index
    %get3A_16 = arith.constant 0 : index
    %get3A_17 = arith.constant 0 : index
    %get3A_18 = vector.load %arg3[%get3A_15, %get3A_16, %get3A_17] : memref<1x2x6400xf32, #tpu.memory_space<vmem>>, vector<1x2x6400xf32>
    %get3A_19 = vector.shape_cast %get3A_18 : vector<1x2x6400xf32> to vector<2x6400xf32>
    %dot_general3A = arith.constant dense<0.000000e+00> : vector<6400x128xf32>
    %dot_general3A_20 = tpu.matmul %get3A_19, %get3A_1, %dot_general3A {dimension_numbers = #tpu.dot_dimension_numbers<[0], [0], [1], [1], [0, 1, 1, 1], [], []>, transpose_lhs_hint = false} : vector<2x6400xf32>, vector<2x128xf32>, vector<6400x128xf32> -> vector<6400x128xf32>
    %get3A_21 = arith.constant 0 : index
    %get3A_22 = arith.constant 0 : index
    %get3A_23 = arith.constant 0 : index
    %get3A_24 = vector.load %arg1[%get3A_21, %get3A_22, %get3A_23] : memref<200x32x128xf32, #tpu.memory_space<vmem>>, vector<200x32x128xf32>
    %get3A_25 = arith.constant 0 : index
    %get3A_26 = arith.constant 0 : index
    %get3A_27 = vector.load %arg7[%get3A_25, %get3A_26] : memref<200x128xf32, #tpu.memory_space<vmem>>, vector<200x128xf32>
    %broadcast_in_dim3A_28 = vector.shape_cast %get3A_27 : vector<200x128xf32> to vector<200x1x128xf32>
    %add3A = vector.broadcast %broadcast_in_dim3A_28 : vector<200x1x128xf32> to vector<200x32x128xf32>
    %add3A_29 = arith.addf %get3A_24, %add3A : vector<200x32x128xf32>
    %reshape3A = vector.shape_cast %dot_general3A_20 : vector<6400x128xf32> to vector<200x32x128xf32>
    %add3A_30 = arith.addf %add3A_29, %reshape3A : vector<200x32x128xf32>
    %get3A_31 = arith.constant 0 : index
    %get3A_32 = arith.constant 0 : index
    %get3A_33 = arith.constant 0 : index
    %get3A_34 = vector.load %arg2[%get3A_31, %get3A_32, %get3A_33] : memref<36x32x1024xf32, #tpu.memory_space<vmem>>, vector<36x32x1024xf32>
    %reshape3A_35 = vector.shape_cast %get3A_34 : vector<36x32x1024xf32> to vector<1152x1024xf32>
    %convert_element_type3A = arith.truncf %reshape3A_35 : vector<1152x1024xf32> to vector<1152x1024xbf16>
    %get3A_36 = arith.constant 0 : index
    %get3A_37 = arith.constant 0 : index
    %get3A_38 = vector.load %arg9[%get3A_36, %get3A_37] : memref<1024x128xbf16, #tpu.memory_space<vmem>>, vector<1024x128xbf16>
    %dot_general3A_39 = arith.constant dense<0.000000e+00> : vector<1152x128xf32>
    %dot_general3A_40 = tpu.matmul %convert_element_type3A, %get3A_38, %dot_general3A_39 {dimension_numbers = #tpu.dot_dimension_numbers<[1], [0], [0], [1], [0, 0, 1, 1], [], []>, transpose_lhs_hint = false} : vector<1152x1024xbf16>, vector<1024x128xbf16>, vector<1152x128xf32> -> vector<1152x128xf32>
    %get3A_41 = arith.constant 0 : index
    %get3A_42 = arith.constant 0 : index
    %get3A_43 = arith.constant 0 : index
    %get3A_44 = vector.load %arg4[%get3A_41, %get3A_42, %get3A_43] : memref<1x2x1152xf32, #tpu.memory_space<vmem>>, vector<1x2x1152xf32>
    %get3A_45 = vector.shape_cast %get3A_44 : vector<1x2x1152xf32> to vector<2x1152xf32>
    %dot_general3A_46 = arith.constant dense<0.000000e+00> : vector<1152x128xf32>
    %dot_general3A_47 = tpu.matmul %get3A_45, %get3A_1, %dot_general3A_46 {dimension_numbers = #tpu.dot_dimension_numbers<[0], [0], [1], [1], [0, 1, 1, 1], [], []>, transpose_lhs_hint = false} : vector<2x1152xf32>, vector<2x128xf32>, vector<1152x128xf32> -> vector<1152x128xf32>
    %iota3A = tpu.iota {dimensions = array<i32: 0>} : vector<1152x1152xi32>
    %iota3A_48 = tpu.iota {dimensions = array<i32: 1>} : vector<1152x1152xi32>
    %eq3A = arith.cmpi eq, %iota3A_48, %iota3A : vector<1152x1152xi32>
    %get3A_49 = arith.constant 0 : index
    %get3A_50 = arith.constant 0 : index
    %get3A_51 = arith.constant 0 : index
    %get3A_52 = vector.load %arg5[%get3A_49, %get3A_50, %get3A_51] : memref<1x1x1152xf32, #tpu.memory_space<vmem>>, vector<1x1x1152xf32>
    %get3A_53 = vector.shape_cast %get3A_52 : vector<1x1x1152xf32> to vector<1x1152xf32>
    %broadcast_in_dim3A_54 = vector.shape_cast %get3A_53 : vector<1x1152xf32> to vector<1x1152xf32>
    %broadcast_in_dim3A_55 = vector.broadcast %broadcast_in_dim3A_54 : vector<1x1152xf32> to vector<1152x1152xf32>
    %jit3A = arith.constant 0.000000e+00 : f32
    %broadcast_in_dim3A_56 = vector.broadcast %jit3A : f32 to vector<1152x1152xf32>
    %select_n3A = arith.select %eq3A, %broadcast_in_dim3A_55, %broadcast_in_dim3A_56 : vector<1152x1152xi1>, vector<1152x1152xf32>
    %get3A_57 = arith.constant 0 : index
    %get3A_58 = arith.constant 0 : index
    %get3A_59 = arith.constant 0 : index
    %get3A_60 = vector.load %arg6[%get3A_57, %get3A_58, %get3A_59] : memref<36x32x128xf32, #tpu.memory_space<vmem>>, vector<36x32x128xf32>
    %reshape3A_61 = vector.shape_cast %get3A_60 : vector<36x32x128xf32> to vector<1152x128xf32>
    %dot_general3A_62 = arith.constant dense<0.000000e+00> : vector<1152x128xf32>
    %dot_general3A_63 = tpu.matmul %select_n3A, %reshape3A_61, %dot_general3A_62 {dimension_numbers = #tpu.dot_dimension_numbers<[1], [0], [0], [1], [0, 0, 1, 1], [], []>, transpose_lhs_hint = false} : vector<1152x1152xf32>, vector<1152x128xf32>, vector<1152x128xf32> -> vector<1152x128xf32>
    %add3A_64 = arith.addf %dot_general3A_40, %dot_general3A_63 : vector<1152x128xf32>
    %add3A_65 = arith.addf %add3A_64, %dot_general3A_47 : vector<1152x128xf32>
    %add3A_66 = arith.addf %get3A_7, %get3A_4 : vector<1x128xf32>
    %add3A_67 = vector.broadcast %add3A_66 : vector<1x128xf32> to vector<1152x128xf32>
    %add3A_68 = arith.addf %add3A_65, %add3A_67 : vector<1152x128xf32>
    %reduce_sum3A = arith.constant dense<0.000000e+00> : vector<200x32xf32>
    %reduce_sum3A_69 = vector.multi_reduction <add>, %add3A_30, %reduce_sum3A [2] : vector<200x32x128xf32> to vector<200x32xf32>
    %broadcast_in_dim3A_70 = vector.shape_cast %reduce_sum3A_69 : vector<200x32xf32> to vector<200x32x1xf32>
    %div3A = arith.constant 1.280000e+02 : f32
    %div3A_71 = vector.broadcast %div3A : f32 to vector<200x32x1xf32>
    %div3A_72 = arith.divf %broadcast_in_dim3A_70, %div3A_71 : vector<200x32x1xf32>
    %sub3A = vector.broadcast %div3A_72 : vector<200x32x1xf32> to vector<200x32x128xf32>
    %sub3A_73 = arith.subf %add3A_30, %sub3A : vector<200x32x128xf32>
    %mul3A = arith.mulf %sub3A_73, %sub3A_73 : vector<200x32x128xf32>
    %reduce_sum3A_74 = arith.constant dense<0.000000e+00> : vector<200x32xf32>
    %reduce_sum3A_75 = vector.multi_reduction <add>, %mul3A, %reduce_sum3A_74 [2] : vector<200x32x128xf32> to vector<200x32xf32>
    %broadcast_in_dim3A_76 = vector.shape_cast %reduce_sum3A_75 : vector<200x32xf32> to vector<200x32x1xf32>
    %div3A_77 = arith.constant 1.280000e+02 : f32
    %div3A_78 = vector.broadcast %div3A_77 : f32 to vector<200x32x1xf32>
    %div3A_79 = arith.divf %broadcast_in_dim3A_76, %div3A_78 : vector<200x32x1xf32>
    %add3A_80 = arith.constant 9.99999996E-13 : f32
    %add3A_81 = vector.broadcast %add3A_80 : f32 to vector<200x32x1xf32>
    %add3A_82 = arith.addf %div3A_79, %add3A_81 : vector<200x32x1xf32>
    %rsqrt3A = math.rsqrt %add3A_82 : vector<200x32x1xf32>
    %mul3A_83 = vector.broadcast %rsqrt3A : vector<200x32x1xf32> to vector<200x32x128xf32>
    %mul3A_84 = arith.mulf %sub3A_73, %mul3A_83 : vector<200x32x128xf32>
    %mul3A_85 = vector.broadcast %broadcast_in_dim3A : vector<1x1x128xf32> to vector<200x32x128xf32>
    %mul3A_86 = arith.mulf %mul3A_84, %mul3A_85 : vector<200x32x128xf32>
    %add3A_87 = vector.broadcast %broadcast_in_dim3A_14 : vector<1x1x128xf32> to vector<200x32x128xf32>
    %add3A_88 = arith.addf %mul3A_86, %add3A_87 : vector<200x32x128xf32>
    %swap3A = arith.constant 0 : index
    %swap3A_89 = arith.constant 0 : index
    %swap3A_90 = arith.constant 0 : index
    %swap3A_91 = vector.load %arg10[%swap3A, %swap3A_89, %swap3A_90] : memref<236x32x128xf32, #tpu.memory_space<vmem>>, vector<200x32x128xf32>
    tpu.vector_store %arg10[%swap3A, %swap3A_89, %swap3A_90], %add3A_88 {strides = array<i32>} : memref<236x32x128xf32, #tpu.memory_space<vmem>>, vector<200x32x128xf32>,
    %reshape3A_92 = vector.shape_cast %add3A_68 : vector<1152x128xf32> to vector<36x32x128xf32>
    %reduce_sum3A_93 = arith.constant dense<0.000000e+00> : vector<36x32xf32>
    %reduce_sum3A_94 = vector.multi_reduction <add>, %reshape3A_92, %reduce_sum3A_93 [2] : vector<36x32x128xf32> to vector<36x32xf32>
    %broadcast_in_dim3A_95 = vector.shape_cast %reduce_sum3A_94 : vector<36x32xf32> to vector<36x32x1xf32>
    %div3A_96 = arith.constant 1.280000e+02 : f32
    %div3A_97 = vector.broadcast %div3A_96 : f32 to vector<36x32x1xf32>
    %div3A_98 = arith.divf %broadcast_in_dim3A_95, %div3A_97 : vector<36x32x1xf32>
    %sub3A_99 = vector.broadcast %div3A_98 : vector<36x32x1xf32> to vector<36x32x128xf32>
    %sub3A_100 = arith.subf %reshape3A_92, %sub3A_99 : vector<36x32x128xf32>
    %mul3A_101 = arith.mulf %sub3A_100, %sub3A_100 : vector<36x32x128xf32>
    %reduce_sum3A_102 = arith.constant dense<0.000000e+00> : vector<36x32xf32>
    %reduce_sum3A_103 = vector.multi_reduction <add>, %mul3A_101, %reduce_sum3A_102 [2] : vector<36x32x128xf32> to vector<36x32xf32>
    %broadcast_in_dim3A_104 = vector.shape_cast %reduce_sum3A_103 : vector<36x32xf32> to vector<36x32x1xf32>
    %div3A_105 = arith.constant 1.280000e+02 : f32
    %div3A_106 = vector.broadcast %div3A_105 : f32 to vector<36x32x1xf32>
    %div3A_107 = arith.divf %broadcast_in_dim3A_104, %div3A_106 : vector<36x32x1xf32>
    %add3A_108 = arith.constant 9.99999996E-13 : f32
    %add3A_109 = vector.broadcast %add3A_108 : f32 to vector<36x32x1xf32>
    %add3A_110 = arith.addf %div3A_107, %add3A_109 : vector<36x32x1xf32>
    %rsqrt3A_111 = math.rsqrt %add3A_110 : vector<36x32x1xf32>
    %mul3A_112 = vector.broadcast %rsqrt3A_111 : vector<36x32x1xf32> to vector<36x32x128xf32>
    %mul3A_113 = arith.mulf %sub3A_100, %mul3A_112 : vector<36x32x128xf32>
    %mul3A_114 = vector.broadcast %broadcast_in_dim3A : vector<1x1x128xf32> to vector<36x32x128xf32>
    %mul3A_115 = arith.mulf %mul3A_113, %mul3A_114 : vector<36x32x128xf32>
    %add3A_116 = vector.broadcast %broadcast_in_dim3A_14 : vector<1x1x128xf32> to vector<36x32x128xf32>
    %add3A_117 = arith.addf %mul3A_115, %add3A_116 : vector<36x32x128xf32>
    %swap3A_118 = arith.constant 200 : index
    %swap3A_119 = arith.constant 0 : index
    %swap3A_120 = arith.constant 0 : index
    %swap3A_121 = vector.load %arg10[%swap3A_118, %swap3A_119, %swap3A_120] : memref<236x32x128xf32, #tpu.memory_space<vmem>>, vector<36x32x128xf32>
    tpu.vector_store %arg10[%swap3A_118, %swap3A_119, %swap3A_120], %add3A_117 {strides = array<i32>} : memref<236x32x128xf32, #tpu.memory_space<vmem>>, vector<36x32x128xf32>,
    return
  }
  func.func @transform_0(%arg0: i32) -> (i32, i32, i32) {
    %c0_i32 = arith.constant 0 : i32
    %c0_i32_0 = arith.constant 0 : i32
    %c0_i32_1 = arith.constant 0 : i32
    return %c0_i32, %arg0, %c0_i32_0 : i32, i32, i32
  }
  func.func @transform_1(%arg0: i32) -> (i32, i32, i32) {
    %c0_i32 = arith.constant 0 : i32
    %c0_i32_0 = arith.constant 0 : i32
    %c0_i32_1 = arith.constant 0 : i32
    return %c0_i32, %arg0, %c0_i32_0 : i32, i32, i32
  }
  func.func @transform_2(%arg0: i32) -> (i32, i32, i32) {
    %c0_i32 = arith.constant 0 : i32
    %c0_i32_0 = arith.constant 0 : i32
    %c0_i32_1 = arith.constant 0 : i32
    return %arg0, %c0_i32, %c0_i32_0 : i32, i32, i32
  }
  func.func @transform_3(%arg0: i32) -> (i32, i32, i32) {
    %c0_i32 = arith.constant 0 : i32
    %c0_i32_0 = arith.constant 0 : i32
    %c0_i32_1 = arith.constant 0 : i32
    return %arg0, %c0_i32, %c0_i32_0 : i32, i32, i32
  }
  func.func @transform_4(%arg0: i32) -> (i32, i32, i32) {
    %c0_i32 = arith.constant 0 : i32
    %c0_i32_0 = arith.constant 0 : i32
    %c0_i32_1 = arith.constant 0 : i32
    return %arg0, %c0_i32, %c0_i32_0 : i32, i32, i32
  }
  func.func @transform_5(%arg0: i32) -> (i32, i32, i32) {
    %c0_i32 = arith.constant 0 : i32
    %c0_i32_0 = arith.constant 0 : i32
    %c0_i32_1 = arith.constant 0 : i32
    return %c0_i32, %arg0, %c0_i32_0 : i32, i32, i32
  }
  func.func @transform_6(%arg0: i32) -> (i32, i32) {
    %c0_i32 = arith.constant 0 : i32
    %c0_i32_0 = arith.constant 0 : i32
    %c0_i32_1 = arith.constant 0 : i32
    return %c0_i32, %c0_i32_0 : i32, i32
  }
  func.func @transform_7(%arg0: i32) -> (i32, i32) {
    %c0_i32 = arith.constant 0 : i32
    %c0_i32_0 = arith.constant 0 : i32
    %c0_i32_1 = arith.constant 0 : i32
    return %c0_i32, %c0_i32_0 : i32, i32
  }
  func.func @transform_8(%arg0: i32) -> (i32, i32) {
    %c0_i32 = arith.constant 0 : i32
    %c0_i32_0 = arith.constant 0 : i32
    %c0_i32_1 = arith.constant 0 : i32
    return %c0_i32, %c0_i32_0 : i32, i32
  }
  func.func @transform_9(%arg0: i32) -> (i32, i32, i32) {
    %c0_i32 = arith.constant 0 : i32
    %c0_i32_0 = arith.constant 0 : i32
    %c0_i32_1 = arith.constant 0 : i32
    return %c0_i32, %arg0, %c0_i32_0 : i32, i32, i32
  }
}

</mosaic_0001>

<sc_bundles>
// kernel: kernel.4.cloned.1.call-start
scs
__scs_entry_jumppad:
0x0: {  	(pc) =	sbr.rel $0x88, $3  }
0x1: {  	(tag) =	ssettag $0x0;
	lr =	simm.s32 $0x1  }
0x2: {  	[smem:$0x3F94] =	sst lr;
	_ =	strace $0xD0000000  }
0x3: {  	_ = 	snop  }
0x4: {  	_ = 	snop  }
0x5: {  	_ = 	snop  }
0x6: {  	_ = 	snop  }
0x7: {  	_ = 	snop  }
__scs_overlays_trampoline_lowered:
0x8: {  	[smem:$0x3FA3] =	sst s0  }
0x9: {  	[smem:$0x3FA4] =	sst s1  }
0xa: {  	[smem:$0x3FA5] =	sst s2  }
0xb: {  	[smem:$0x3FA6] =	sst s3  }
0xc: {  	[smem:$0x3FA7] =	sst s4  }
0xd: {  	[smem:$0x3FA8] =	sst s5  }
0xe: {  	[smem:$0x3FA9] =	sst s6  }
0xf: {  	[smem:$0x3FAA] =	sst s7  }
0x10: {  	[smem:$0x3FAB] =	sst s8  }
0x11: {  	[smem:$0x3FAC] =	sst s9;
	s0 =	simm.s32 @!p0 $0x0  }
0x12: {  	s1 =	sld [smem:$0x3F92];
	s0 =	simm.s32 @p0 $0x1  }
0x13: {  	[smem:$0x3FAD] =	sst s0;
	s0 =	simm.s32 @!p1 $0x0  }
0x14: {  	s2 =	sld [smem:$0x3F91];
	s0 =	simm.s32 @p1 $0x1  }
0x15: {  	[smem:$0x3FAE] =	sst s0;
	s0 =	simm.s32 @!p2 $0x0  }
0x16: {  	s3 =	sld [smem:$0x3FDB];
	s0 =	simm.s32 @p2 $0x1  }
0x17: {  	s4 =	simm.s32 $0x1BF5;
	[smem:$0x3FB0] =	sst s0  }
0x18: {  	s0 =	sld [smem:$0x3F93];
	_ =	swait.ge [sflag:s4], $0x0  }
0x19: {  	s7 =	sld [smem:$0x3F94]  }
0x1a: {  	s8 =	sadd.s32 $0xFFFFE003, lr  }
0x1b: {  	s9 =	sadd.s32 $0xFFFFFEF7, lr;
	s5 =	simm.s32 $0xFFFFFFFF;
	p2 =	slt.u32 s8, $0xFFFFF086  }
0x1c: {  	p1 =	slt.u32 s9, $0xF7A;
	s5 =	simm.s32 @!p2 $0x0  }
0x1d: {  	s5 =	simm.s32 @p1 $0x1;
	p0 =	seq.s32 s7, s2  }
0x1e: {  	s7 =	smul.u32 @!p0 $0xF7A, s2;
	p2 =	seq.s32 @!p0 s5, $0x0  }
0x1f: {  	s9 =	smul.u32 $0xF7A, s1;
	s8 =	simm.s32 @!p0 $0x1BF5;
	p2 =	por !p2, p0  }
0x20: {  	[sflag:s8] =	ssyncset.s32 @!p0 $0xFFFFF086;
	s6 =	sadd.s32 @!p0 s3, s7;
	s7 =	simm.s32 @!p0 $0x108  }
0x21: {  	s3 =	sadd.s32 s3, s9;
	s6 =	sadd.s32 @!p0 $0x88, s6;
	s7 =	simm.s32 @p2 $0x1082  }
0x22: {  	[simem:s7], [sflag:s8] =	dma.local @!p0 [hbm:s6], $0xF7A  }
0x23: {  	s9 =	sor.u32 $0xD0000000, s2;
	s6 =	simm.s32 $0x108;
	_ =	swait.ge @!p0 [sflag:s8], $0x0  }
0x24: {  	s3 =	sadd.s32 $0x88, s3;
	s6 =	simm.s32 @!p1 $0x1082;
	[sflag:s4] =	ssyncset.s32 $0xFFFFF086  }
0x25: {  	[simem:s6], [sflag:s4] =	dma.local [hbm:s3], $0xF7A  }
0x26: {  	[smem:$0x3F94] =	sst s1;
	(tag) =	ssettag s2;
	_ =	strace s9  }
0x27: {  	s1 =	sld [smem:$0x3FA4]  }
0x28: {  	s2 =	sld [smem:$0x3FA5]  }
0x29: {  	s4 =	sld [smem:$0x3FA7]  }
0x2a: {  	p0 =	seq.s32 s5, $0x0;
	s5 =	sld [smem:$0x3FA8]  }
0x2b: {  	s6 =	sld [smem:$0x3FA9]  }
0x2c: {  	s7 =	sld [smem:$0x3FAA]  }
0x2d: {  	s3 =	simm.s32 $0x108;
	s8 =	sld [smem:$0x3FAB]  }
0x2e: {  	s3 =	simm.s32 @!p0 $0x1082;
	s9 =	sld [smem:$0x3FAC]  }
0x2f: {  	lr =	sadd.s32 s0, s3;
	s0 =	sld [smem:$0x3FA3]  }
0x30: {  	s3 =	sld [smem:$0x3FA6]  }
0x31: {  	[smem:$0x3FAF] =	sst s10  }
0x32: {  	s10 =	sld [smem:$0x3FAD];
	_ =	sdelay $0x3  }
0x33: {  	p0 =	seq.s32 s10, $0x1;
	s10 =	sld [smem:$0x3FAF];
	_ =	sdelay $0x3  }
0x34: {  	[smem:$0x3FAF] =	sst s10  }
0x35: {  	s10 =	sld [smem:$0x3FAE];
	_ =	sdelay $0x3  }
0x36: {  	p1 =	seq.s32 s10, $0x1;
	s10 =	sld [smem:$0x3FAF];
	_ =	sdelay $0x3  }
0x37: {  	[smem:$0x3FAF] =	sst s10  }
0x38: {  	s10 =	sld [smem:$0x3FB0]  }
0x39: {  	_ = 	snop;
	(pc) =	sbr.ind lr, $3  }
0x3a: {  	_ = 	snop  }
0x3b: {  	_ = 	snop  }
0x3c: {  	p2 =	seq.s32 s10, $0x1;
	s10 =	sld [smem:$0x3FAF]  }
0x3d: {  	_ =	shalt  }
0x3e: {  	_ =	shalt  }
0x3f: {  	_ =	shalt  }
0x40: {  	_ =	shalt  }
0x41: {  	_ =	shalt  }
0x42: {  	_ =	shalt  }
0x43: {  	_ =	shalt  }
0x44: {  	_ =	shalt  }
0x45: {  	_ =	shalt  }
0x46: {  	_ =	shalt  }
0x47: {  	_ =	shalt  }
0x48: {  	_ =	shalt  }
0x49: {  	_ =	shalt  }
0x4a: {  	_ =	shalt  }
0x4b: {  	_ =	shalt  }
0x4c: {  	_ =	shalt  }
0x4d: {  	_ =	shalt  }
0x4e: {  	_ =	shalt  }
0x4f: {  	_ =	shalt  }
0x50: {  	_ =	shalt  }
0x51: {  	_ =	shalt  }
0x52: {  	_ =	shalt  }
0x53: {  	_ =	shalt  }
0x54: {  	_ =	shalt  }
0x55: {  	_ =	shalt  }
0x56: {  	_ =	shalt  }
0x57: {  	_ =	shalt  }
0x58: {  	_ =	shalt  }
0x59: {  	_ =	shalt  }
0x5a: {  	_ =	shalt  }
0x5b: {  	_ =	shalt  }
0x5c: {  	_ =	shalt  }
0x5d: {  	_ =	shalt  }
0x5e: {  	_ =	shalt  }
0x5f: {  	_ =	shalt  }
0x60: {  	_ =	shalt  }
0x61: {  	_ =	shalt  }
0x62: {  	_ =	shalt  }
0x63: {  	_ =	shalt  }
0x64: {  	_ =	shalt  }
0x65: {  	_ =	shalt  }
0x66: {  	_ =	shalt  }
0x67: {  	_ =	shalt  }
0x68: {  	_ =	shalt  }
0x69: {  	_ =	shalt  }
0x6a: {  	_ =	shalt  }
0x6b: {  	_ =	shalt  }
0x6c: {  	_ =	shalt  }
0x6d: {  	_ =	shalt  }
0x6e: {  	_ =	shalt  }
0x6f: {  	_ =	shalt  }
0x70: {  	_ =	shalt  }
0x71: {  	_ =	shalt  }
0x72: {  	_ =	shalt  }
0x73: {  	_ =	shalt  }
0x74: {  	_ =	shalt  }
0x75: {  	_ =	shalt  }
0x76: {  	_ =	shalt  }
0x77: {  	_ =	shalt  }
0x78: {  	_ =	shalt  }
0x79: {  	_ =	shalt  }
0x7a: {  	_ =	shalt  }
0x7b: {  	_ =	shalt  }
0x7c: {  	_ =	shalt  }
0x7d: {  	_ =	shalt  }
0x7e: {  	_ =	shalt  }
0x7f: {  	_ =	shalt  }
0x80: {  	_ =	shalt  }
0x81: {  	_ =	shalt  }
0x82: {  	_ =	shalt  }
0x83: {  	_ =	shalt  }
0x84: {  	_ =	shalt  }
0x85: {  	_ =	shalt  }
0x86: {  	_ =	shalt  }
0x87: {  	_ =	shalt  }
.Lfunc_end0:
.L_simem_size_0:
called_computation_lowered:
.L_overlay_start_0:
0x88: {  	s2 =	sld [smem:$0x3FD9]  }
0x89: {  	s3 =	sld [smem:$0x3FFE];
	_ =	sdelay $0x1  }
0x8a: {  	s1 =	srdreg.scid  }
0x8b: {  	s0 =	sand.u32 $0x1, s1  }
0x8c: {  	s17 =	sshll.u32 s0, $0xA;
	s2 =	sadd.s32 s3, s2  }
0x8d: {  	s2 =	sadd.s32 s2, s17  }
0x8e: {  	[smem:$0x3FBB] =	sst s2  }
0x8f: {  	_ = 	snop  }
0x90: {  	s2 =	sld [smem:$0x3FC5]  }
0x91: {  	s18 =	sld [smem:$0x3FC4]  }
0x92: {  	s4 =	sld [smem:$0x3FD0];
	(tm) =	ssettm $0x1  }
0x93: {  	s5 =	sld [smem:$0x3FFB];
	_ =	sdelay $0x3  }
0x94: {  	_ =	strace s5  }
0x95: {  	s5 =	sld [smem:$0x3FFC];
	_ =	sdelay $0x3  }
0x96: {  	_ =	strace s5  }
0x97: {  	s5 =	sld [smem:$0x3FFD];
	_ =	sdelay $0x3  }
0x98: {  	_ =	strace s5  }
0x99: {  	_ =	strace $0x8FFFFFFF  }
0x9a: {  	s19 =	sld [smem:$0x3FDB];
	_ =	sdelay $0x1  }
0x9b: {  	s6 =	simm.s32 $_scs_section_size  }
0x9c: {  	s7 =	simm.s32 $_size__tile_overlayer_lowered;
	s8 =	simm.s32 $_tile_overlayer_lowered  }
0x9d: {  	s22 =	simm.s32 $0x1BFF;
	s21 =	sshll.u32 s8, $0x1;
	s5 =	sadd.s32 s6, s19  }
0x9e: {  	s9 =	simm.s32 $0x0;
	s20 =	sshll.u32 s7, $0x1;
	s7 =	sadd.s32 s21, s5  }
0x9f: {  	[timem:s9], [sflag:s22] =	dma.local [hbm:s7], s20  }
0xa0: {  	_ =	swait.ge [sflag:s22], s20  }
0xa1: {  	s6 =	ssub.s32 $0x0, s20;
	[sflag:s22] =	ssyncset.done $0x0  }
0xa2: {  	[sflag:s22] =	ssyncadd.s32 s6;
	_ =	sdelay $0x1  }
0xa3: {  	s23 =	simm.s32 $0x1B8B  }
0xa4: {  	_ =	swait.ge [sflag:s23], $0x1  }
0xa5: {  	[sflag:s23] =	ssyncset.done $0x0  }
0xa6: {  	s25 =	simm.s32 $0x1B8E;
	s24 =	sld [smem:$0x3FFE];
	[sflag:s23] =	ssyncadd.s32 $0xFFFFFFFF  }
0xa7: {  	s26 =	simm.s32 $execute0_lowered;
	[smem:$0x3FD2] =	sst s25  }
0xa8: {  	s7 =	sshll.u32 s26, $0x1;
	_ =	strace $0x80000046;
	[dreg:$0x1] =	wrdreg $0xFFFFFFFF  }
0xa9: {  	s28 =	simm.s32 $_size_execute0_lowered;
	s5 =	sadd.s32 s5, s7;
	[dreg:$0x0] =	wrdreg $0x0  }
0xaa: {  	s7 =	sshll.u32 s28, $0x1;
	[dreg:$0x2] =	wrdreg s5  }
0xab: {  	[dreg:$0x3] =	wrdreg s7  }
0xac: {  	[dreg:$0x4] =	wrdreg $0xC0  }
0xad: {  	_ =	task [dreg:s9], $0x5FFFF  }
0xae: {  	[dreg:$0x1] =	wrdreg $0xFFFFFFFF  }
0xaf: {  	[dreg:$0x0] =	wrdreg $0x60  }
0xb0: {  	[dreg:$0x2] =	wrdreg s24  }
0xb1: {  	[dreg:$0x3] =	wrdreg s2  }
0xb2: {  	[dreg:$0x4] =	wrdreg s18  }
0xb3: {  	[dreg:$0x5] =	wrdreg s4  }
0xb4: {  	[dreg:$0x6] =	wrdreg $0x9  }
0xb5: {  	_ =	task.clear_ibuf [dreg:s9], $0x7FFFF;
	_ =	strace $0x90000046  }
0xb6: {  	s29 =	simm.s32 $0x9;
	_ =	strace $0x80000048  }
0xb7: {  	_ =	swait.ge [sflag:s29], $0x1  }
0xb8: {  	[sflag:s29] =	ssyncadd.s32 $0xFFFFFFFF  }
0xb9: {  	_ =	strace $0x90000048  }
0xba: {  	_ =	sfence  }
0xbb: {  	s30 =	sld [smem:$0x0];
	_ =	sdelay $0x2  }
0xbc: {  	s31 =	sshll.u32 s1, $0xD;
	s1 =	sshrl.u32 s1, $0x2  }
0xbd: {  	s3 =	sand.u32 $0x4000, s31;
	s1 =	sadd.s32 s1, s30  }
0xbe: {  	s0 =	sor.u32 s3, s0;
	s1 =	sshll.u32 s1, $0x11  }
0xbf: {  	s0 =	sor.u32 s1, s0  }
0xc0: {  	s0 =	sadd.s32 $0x8F2B, s0  }
0xc1: {  	[sflag:s0] =	ssyncadd.remote.s32 $0x1  }
0xc2: {  	_ =	sfence.sel $0xFFFF  }
0xc3: {  	[dreg:$0x0] =	wrdreg $0xFFFFFFFF;
	(pc) =	sbr.abs _section_cstart, $3  }
0xc4: {  	[dreg:$0x1] =	wrdreg $0xFFFFFFFF  }
0xc5: {  	_ =	task.clear_ibuf [dreg:s9], $0x2FFFF;
	_ =	strace $0x9FFFFFFF  }
0xc6: {  	(tm) =	ssettm $0x7FFFFFFF  }
0xc7: {  	_ =	shalt  }
tec
execute0_lowered:
.L_overlay_start_1:
0x0: {  	(tag) =	ssettag $0x1  }
0x1: {  	s17 =	stileid.u32  }
0x2: {  	s0 =	rddreg [dreg:$0x0];
	s14 =	smul.u32 $0x190000, s17  }
0x3: {  	s3 =	srdreg.scid;
	s16 =	smul.u32 $0x32000, s17  }
0x4: {  	s12 =	sand.u32 $0x1, s3;
	s24 =	sshll.u32 s17, $0x1;
	s17 =	smul.u32 $0x48000, s17  }
0x5: {  	s1 =	rddreg [dreg:$0x1];
	s31 =	smul.u32 $0xC8000, s12  }
0x6: {  	s2 =	rddreg [dreg:$0x2];
	s18 =	smul.u32 $0x24000, s12  }
0x7: {  	s15 =	rddreg [dreg:$0x3];
	s6 =	sor.u32 s12, s24;
	s22 =	smul.u32 $0x19000, s12  }
0x8: {  	s28 =	simm.s32 $0x6;
	s29 =	simm.s32 $0x3;
	s4 =	smul.u32 $0x380, s6  }
0x9: {  	s30 =	simm.s32 $0x4;
	s3 =	simm.s32 $0x0;
	s8 =	smul.u32 $0x240, s6  }
0xa: {  	s5 =	sadd.s32 $0xAE00, s0;
	s9 =	ssub.s32 $0x2, s12;
	s10 =	smul.u32 $0xC8000, s6  }
0xb: {  	[smem:$0x7FF] =	sst s3;
	s11 =	sshrl.u32 s9, $0x1;
	s13 =	smul.u32 $0x24000, s6  }
0xc: {  	_ =	strace $0x80000047;
	s25 =	smul.u32 $0x19000, s6;
	s9 =	ssub.s32 s9, s11  }
0xd: {  	s21 =	sadd.s32 s31, s14;
	s24 =	sadd.s32 s18, s17;
	s18 =	simm.s32 $0x2E00  }
0xe: {  	s7 =	sadd.s32 s4, s0;
	s4 =	sadd.s32 $0x8E00, s0;
	s0 =	sadd.s32 $0xB600, s0  }
0xf: {  	s13 =	sshrl.u32 s13, $0x3;
	s19 =	sshrl.u32 s10, $0x3;
	s9 =	smax.u32 s9, $0x1  }
0x10: {  	s31 =	sshrl.u32 s24, $0x3;
	s6 =	sadd.s32 $0x1E00, s7;
	s7 =	sadd.s32 s1, s8  }
0x11: {  	s26 =	sadd.s32 s15, s13;
	s1 =	sadd.s32 s0, s19;
	s20 =	sadd.s32 s0, s25  }
0x12: {  	s23 =	sadd.s32 s16, s0;
	s14 =	sadd.s32 s31, s15;
	s16 =	simm.s32 $0x7  }
0x13: {  	s19 =	simm.s32 $0x80;
	s8 =	sadd.s32 $0x4000, s26;
	s10 =	sadd.s32 $0x18000, s1  }
0x14: {  	s11 =	sadd.s32 $0x18800, s20;
	s1 =	sshrl.u32 s21, $0x3;
	s25 =	sadd.s32 s22, s23  }
0x15: {  	s26 =	sadd.s32 $0x4000, s24;
	s20 =	simm.s32 $0x6E00;
	s21 =	simm.s32 $0x1  }
0x16: {  	s22 =	simm.s32 $0x2;
	s24 =	simm.s32 $0xAE00;
	s23 =	simm.s32 $0x0  }
0x17: {  	s12 =	sadd.s32 s1, s0;
	s13 =	sadd.s32 $0x800, s25;
	s1 =	sshrl.u32 s26, $0x3  }
0x18: {  	s25 =	simm.s32 $0xEE00;
	s26 =	simm.s32 $0x5;
	s15 =	sadd.s32 s1, s15  }
.LBB2_1:
0x19: {  	[tilespmem:s3], [sflag:$0x7] =	stream.linear.gather [hbm4b:s6+s3], $0x1900, $0x38;
	[tilespmem:$0x12E00] =	vst v63  }
0x1a: {  	_ =	swait.ge [sflag:s16], $0x1900  }
0x1b: {  	[sflag:s16] =	ssyncset.done $0x0  }
0x1c: {  	s0 =	simm.s32 $0x1C00;
	[sflag:s16] =	ssyncadd.s32 $0xFFFFE700  }
0x1d: {  	[tilespmem:s0], [sflag:$0x7] =	stream.linear.gather [hbm4b:s7+s3], $0x1200, $0x38;
	[tilespmem:$0x12E00] =	vst v63  }
0x1e: {  	_ =	swait.ge [sflag:s16], $0x1200  }
0x1f: {  	[sflag:s16] =	ssyncset.done $0x0  }
0x20: {  	[sflag:s16] =	ssyncadd.s32 $0xFFFFEE00  }
0x21: {  	[tilespmem:s18], [sflag:$0x1] =	stream.indirect.gather [hbm4b:s2+s19], $0x80, s3, s19, $0xb8;
	[tilespmem:$0x12E00] =	vst v63  }
0x22: {  	_ = 	snop  }
0x23: {  	[tilespmem:s20], [sflag:$0x2] =	stream.indirect.gather [hbm4b:s2+s19], $0x80, s19, s19, $0xb8;
	[tilespmem:$0x12E00] =	vst v63  }
0x24: {  	_ =	swait.ge [sflag:s21], $0x4000  }
0x25: {  	[sflag:s21] =	ssyncset.done $0x0  }
0x26: {  	s1 =	sadd.s32 $0x0, s12;
	[sflag:s21] =	ssyncadd.s32 $0xFFFFC000  }
0x27: {  	[hbm4b:s1+s3] =	stream.linear.scatter [tilespmem:s18], [sflag:$0x7], $0x4000, $0x38;
	[tilespmem:$0x12E00] =	vst v63  }
0x28: {  	_ =	swait.ge [sflag:s16], $0x4000  }
0x29: {  	[sflag:s16] =	ssyncset.done $0x0  }
0x2a: {  	s0 =	simm.s32 $0x100;
	[sflag:s16] =	ssyncadd.s32 $0xFFFFC000  }
0x2b: {  	[tilespmem:s18], [sflag:$0x1] =	stream.indirect.gather [hbm4b:s2+s19], $0x80, s0, s19, $0xb8;
	[tilespmem:$0x12E00] =	vst v63  }
0x2c: {  	_ =	swait.ge [sflag:s22], $0x4000  }
0x2d: {  	[sflag:s22] =	ssyncset.done $0x0  }
0x2e: {  	s17 =	sadd.s32 $0x0, s13;
	[sflag:s22] =	ssyncadd.s32 $0xFFFFC000  }
0x2f: {  	[hbm4b:s17+s3] =	stream.linear.scatter [tilespmem:s20], [sflag:$0x7], $0x4000, $0x38;
	[tilespmem:$0x12E00] =	vst v63  }
0x30: {  	_ =	swait.ge [sflag:s16], $0x4000  }
0x31: {  	s31 =	simm.s32 $0x80;
	s1 =	simm.s32 $0x1000;
	[sflag:s16] =	ssyncset.done $0x0  }
.LBB2_2:
0x32: {  	p0 =	sne.s32 s1, $0x17000;
	[sflag:s16] =	ssyncadd.s32 $0xFFFFC000;
	s31 =	sadd.s32 $0x100, s31  }
0x33: {  	[tilespmem:s20], [sflag:$0x2] =	stream.indirect.gather [hbm4b:s2+s19], $0x80, s31, s19, $0xb8;
	[tilespmem:$0x12E00] =	vst v63  }
0x34: {  	s0 =	smov.u32 s1;
	s1 =	sadd.s32 $0x1000, s1;
	_ =	swait.ge [sflag:s21], $0x4000  }
0x35: {  	[sflag:s21] =	ssyncset.done $0x0  }
0x36: {  	s17 =	sadd.s32 s0, s12;
	[sflag:s21] =	ssyncadd.s32 $0xFFFFC000  }
0x37: {  	[hbm4b:s17+s3] =	stream.linear.scatter [tilespmem:s18], [sflag:$0x7], $0x4000, $0x38;
	[tilespmem:$0x12E00] =	vst v63  }
0x38: {  	_ =	swait.ge [sflag:s16], $0x4000  }
0x39: {  	[sflag:s16] =	ssyncset.done $0x0  }
0x3a: {  	s17 =	sadd.s32 $0x80, s31;
	[sflag:s16] =	ssyncadd.s32 $0xFFFFC000  }
0x3b: {  	[tilespmem:s18], [sflag:$0x1] =	stream.indirect.gather [hbm4b:s2+s19], $0x80, s17, s19, $0xb8;
	[tilespmem:$0x12E00] =	vst v63  }
0x3c: {  	_ =	swait.ge [sflag:s22], $0x4000  }
.Ltmp0:
0x3d: {  	[sflag:s22] =	ssyncset.done $0x0;
	(pc) =	sbr.rel @p0 .LBB2_2-.Ltmp0, $4  }
0x3e: {  	s0 =	sadd.s32 s0, s13;
	[sflag:s22] =	ssyncadd.s32 $0xFFFFC000  }
0x3f: {  	[hbm4b:s0+s3] =	stream.linear.scatter [tilespmem:s20], [sflag:$0x7], $0x4000, $0x38;
	[tilespmem:$0x12E00] =	vst v63  }
0x40: {  	_ =	swait.ge [sflag:s16], $0x4000  }
0x41: {  	[sflag:s16] =	ssyncset.done $0x0  }
0x42: {  	[sflag:s16] =	ssyncadd.s32 $0xFFFFC000;
	s0 =	simm.s32 $0x1880  }
0x43: {  	[tilespmem:s20], [sflag:$0x2] =	stream.indirect.gather [hbm4b:s2+s19], $0x80, s0, s19, $0xb8;
	[tilespmem:$0x12E00] =	vst v63  }
0x44: {  	_ =	swait.ge [sflag:s21], $0x4000  }
0x45: {  	[sflag:s21] =	ssyncset.done $0x0  }
0x46: {  	s17 =	simm.s32 $0x0;
	[sflag:s21] =	ssyncadd.s32 $0xFFFFC000  }
0x47: {  	[hbm4b:s10+s17] =	stream.linear.scatter [tilespmem:s18], [sflag:$0x7], $0x4000, $0x38;
	[tilespmem:$0x12E00] =	vst v63  }
0x48: {  	_ =	swait.ge [sflag:s16], $0x4000  }
0x49: {  	[sflag:s16] =	ssyncset.done $0x0  }
0x4a: {  	[sflag:s16] =	ssyncadd.s32 $0xFFFFC000  }
0x4b: {  	_ =	swait.ge [sflag:s22], $0x4000  }
0x4c: {  	[sflag:s22] =	ssyncset.done $0x0  }
0x4d: {  	[sflag:s22] =	ssyncadd.s32 $0xFFFFC000  }
0x4e: {  	[hbm4b:s11+s17] =	stream.linear.scatter [tilespmem:s20], [sflag:$0x7], $0x4000, $0x38;
	[tilespmem:$0x12E00] =	vst v63  }
0x4f: {  	_ =	swait.ge [sflag:s16], $0x4000  }
0x50: {  	[sflag:s16] =	ssyncset.done $0x0  }
0x51: {  	[sflag:s16] =	ssyncadd.s32 $0xFFFFC000  }
0x52: {  	[tilespmem:s24], [sflag:$0x5] =	stream.linear.gather [hbm4b:s5+s17], $0x4000, $0x38;
	[tilespmem:$0x12E00] =	vst v63  }
0x53: {  	_ = 	snop  }
0x54: {  	[tilespmem:s25], [sflag:$0x6] =	stream.linear.gather [hbm4b:s5+s17], $0x4000, $0x38;
	[tilespmem:$0x12E00] =	vst v63  }
0x55: {  	_ =	swait.ge [sflag:s26], $0x4000  }
0x56: {  	[sflag:s26] =	ssyncset.done $0x0  }
0x57: {  	s1 =	simm.s32 $0x1C00;
	[sflag:s26] =	ssyncadd.s32 $0xFFFFC000  }
0x58: {  	[tilespmem:s24], [sflag:$0x3] =	stream.indirect.gather.add.f32 [hbm:s4], $0x80, s1, s19, $0xb8;
	[tilespmem:$0x12E00] =	vst v63  }
0x59: {  	s17 =	simm.s32 $0x1C80  }
0x5a: {  	[tilespmem:s24], [sflag:$0x3] =	stream.indirect.gather.add.f32 [hbm:s4], $0x80, s17, s19, $0xb8;
	[tilespmem:$0x12E00] =	vst v63  }
0x5b: {  	s1 =	simm.s32 $0x1D00  }
0x5c: {  	[tilespmem:s24], [sflag:$0x3] =	stream.indirect.gather.add.f32 [hbm:s4], $0x80, s1, s19, $0xb8;
	[tilespmem:$0x12E00] =	vst v63  }
0x5d: {  	s17 =	simm.s32 $0x1D80  }
0x5e: {  	[tilespmem:s24], [sflag:$0x3] =	stream.indirect.gather.add.f32 [hbm:s4], $0x80, s17, s19, $0xb8;
	[tilespmem:$0x12E00] =	vst v63  }
0x5f: {  	_ =	swait.ge [sflag:s28], $0x4000  }
0x60: {  	[sflag:s28] =	ssyncset.done $0x0  }
0x61: {  	s1 =	simm.s32 $0x1E00;
	[sflag:s28] =	ssyncadd.s32 $0xFFFFC000  }
0x62: {  	[tilespmem:s25], [sflag:$0x4] =	stream.indirect.gather.add.f32 [hbm:s4], $0x80, s1, s19, $0xb8;
	[tilespmem:$0x12E00] =	vst v63  }
0x63: {  	s17 =	simm.s32 $0x1E80  }
0x64: {  	[tilespmem:s25], [sflag:$0x4] =	stream.indirect.gather.add.f32 [hbm:s4], $0x80, s17, s19, $0xb8;
	[tilespmem:$0x12E00] =	vst v63  }
0x65: {  	s1 =	simm.s32 $0x1F00  }
0x66: {  	[tilespmem:s25], [sflag:$0x4] =	stream.indirect.gather.add.f32 [hbm:s4], $0x80, s1, s19, $0xb8;
	[tilespmem:$0x12E00] =	vst v63  }
0x67: {  	s17 =	simm.s32 $0x1F80  }
0x68: {  	[tilespmem:s25], [sflag:$0x4] =	stream.indirect.gather.add.f32 [hbm:s4], $0x80, s17, s19, $0xb8;
	[tilespmem:$0x12E00] =	vst v63  }
0x69: {  	_ =	swait.ge [sflag:s29], $0x4000  }
0x6a: {  	[sflag:s29] =	ssyncset.done $0x0  }
0x6b: {  	[sflag:s29] =	ssyncadd.s32 $0xFFFFC000  }
0x6c: {  	_ =	swait.ge [sflag:s29], $0x4000  }
0x6d: {  	[sflag:s29] =	ssyncset.done $0x0  }
0x6e: {  	[sflag:s29] =	ssyncadd.s32 $0xFFFFC000  }
0x6f: {  	_ =	swait.ge [sflag:s29], $0x4000  }
0x70: {  	[sflag:s29] =	ssyncset.done $0x0  }
0x71: {  	[sflag:s29] =	ssyncadd.s32 $0xFFFFC000  }
0x72: {  	_ =	swait.ge [sflag:s29], $0x4000  }
0x73: {  	[sflag:s29] =	ssyncset.done $0x0  }
0x74: {  	s1 =	sadd.s32 $0x0, s14;
	[sflag:s29] =	ssyncadd.s32 $0xFFFFC000  }
0x75: {  	[hbm4b:s1+s3] =	stream.linear.scatter [tilespmem:s24], [sflag:$0x7], $0x4000, $0x38;
	[tilespmem:$0x12E00] =	vst v63  }
0x76: {  	_ =	swait.ge [sflag:s16], $0x4000  }
0x77: {  	[sflag:s16] =	ssyncset.done $0x0  }
0x78: {  	[sflag:s16] =	ssyncadd.s32 $0xFFFFC000  }
0x79: {  	[tilespmem:s24], [sflag:$0x5] =	stream.linear.gather [hbm4b:s5+s3], $0x4000, $0x38;
	[tilespmem:$0x12E00] =	vst v63  }
0x7a: {  	_ =	swait.ge [sflag:s30], $0x4000  }
0x7b: {  	[sflag:s30] =	ssyncset.done $0x0  }
0x7c: {  	[sflag:s30] =	ssyncadd.s32 $0xFFFFC000  }
0x7d: {  	_ =	swait.ge [sflag:s30], $0x4000  }
0x7e: {  	[sflag:s30] =	ssyncset.done $0x0  }
0x7f: {  	[sflag:s30] =	ssyncadd.s32 $0xFFFFC000  }
0x80: {  	_ =	swait.ge [sflag:s30], $0x4000  }
0x81: {  	[sflag:s30] =	ssyncset.done $0x0  }
0x82: {  	[sflag:s30] =	ssyncadd.s32 $0xFFFFC000  }
0x83: {  	_ =	swait.ge [sflag:s30], $0x4000  }
0x84: {  	[sflag:s30] =	ssyncset.done $0x0  }
0x85: {  	s17 =	sadd.s32 $0x0, s15;
	[sflag:s30] =	ssyncadd.s32 $0xFFFFC000  }
0x86: {  	[hbm4b:s17+s3] =	stream.linear.scatter [tilespmem:s25], [sflag:$0x7], $0x4000, $0x38;
	[tilespmem:$0x12E00] =	vst v63  }
0x87: {  	_ =	swait.ge [sflag:s16], $0x4000  }
0x88: {  	[sflag:s16] =	ssyncset.done $0x0  }
0x89: {  	s31 =	simm.s32 $0x1000;
	[sflag:s16] =	ssyncadd.s32 $0xFFFFC000  }
.LBB2_4:
0x8a: {  	[tilespmem:s25], [sflag:$0x6] =	stream.linear.gather [hbm4b:s5+s3], $0x4000, $0x38;
	[tilespmem:$0x12E00] =	vst v63  }
0x8b: {  	s1 =	smov.u32 s31  }
0x8c: {  	p0 =	sne.s32 s31, $0x3000;
	s31 =	sadd.s32 $0x1000, s31;
	_ =	swait.ge [sflag:s26], $0x4000  }
0x8d: {  	s0 =	sshra.s32 s1, $0x2;
	[sflag:s26] =	ssyncset.done $0x0  }
0x8e: {  	s17 =	sadd.s32 $0x1C00, s0;
	[sflag:s26] =	ssyncadd.s32 $0xFFFFC000  }
0x8f: {  	[tilespmem:s24], [sflag:$0x3] =	stream.indirect.gather.add.f32 [hbm:s4], $0x80, s17, s19, $0xb8;
	[tilespmem:$0x12E00] =	vst v63  }
0x90: {  	s17 =	sadd.s32 $0x1C80, s0  }
0x91: {  	[tilespmem:s24], [sflag:$0x3] =	stream.indirect.gather.add.f32 [hbm:s4], $0x80, s17, s19, $0xb8;
	[tilespmem:$0x12E00] =	vst v63  }
0x92: {  	s17 =	sadd.s32 $0x1D00, s0  }
0x93: {  	[tilespmem:s24], [sflag:$0x3] =	stream.indirect.gather.add.f32 [hbm:s4], $0x80, s17, s19, $0xb8;
	[tilespmem:$0x12E00] =	vst v63  }
0x94: {  	s17 =	sadd.s32 $0x1D80, s0  }
0x95: {  	[tilespmem:s24], [sflag:$0x3] =	stream.indirect.gather.add.f32 [hbm:s4], $0x80, s17, s19, $0xb8;
	[tilespmem:$0x12E00] =	vst v63  }
0x96: {  	_ =	swait.ge [sflag:s28], $0x4000  }
0x97: {  	[sflag:s28] =	ssyncset.done $0x0  }
0x98: {  	s17 =	sadd.s32 $0x1E00, s0;
	[sflag:s28] =	ssyncadd.s32 $0xFFFFC000  }
0x99: {  	[tilespmem:s25], [sflag:$0x4] =	stream.indirect.gather.add.f32 [hbm:s4], $0x80, s17, s19, $0xb8;
	[tilespmem:$0x12E00] =	vst v63  }
0x9a: {  	s17 =	sadd.s32 $0x1E80, s0  }
0x9b: {  	[tilespmem:s25], [sflag:$0x4] =	stream.indirect.gather.add.f32 [hbm:s4], $0x80, s17, s19, $0xb8;
	[tilespmem:$0x12E00] =	vst v63  }
0x9c: {  	s17 =	sadd.s32 $0x1F00, s0  }
0x9d: {  	[tilespmem:s25], [sflag:$0x4] =	stream.indirect.gather.add.f32 [hbm:s4], $0x80, s17, s19, $0xb8;
	[tilespmem:$0x12E00] =	vst v63  }
0x9e: {  	s0 =	sadd.s32 $0x1F80, s0  }
0x9f: {  	[tilespmem:s25], [sflag:$0x4] =	stream.indirect.gather.add.f32 [hbm:s4], $0x80, s0, s19, $0xb8;
	[tilespmem:$0x12E00] =	vst v63  }
0xa0: {  	_ =	swait.ge [sflag:s29], $0x4000  }
0xa1: {  	[sflag:s29] =	ssyncset.done $0x0  }
0xa2: {  	[sflag:s29] =	ssyncadd.s32 $0xFFFFC000  }
0xa3: {  	_ =	swait.ge [sflag:s29], $0x4000  }
0xa4: {  	[sflag:s29] =	ssyncset.done $0x0  }
0xa5: {  	[sflag:s29] =	ssyncadd.s32 $0xFFFFC000  }
0xa6: {  	_ =	swait.ge [sflag:s29], $0x4000  }
0xa7: {  	[sflag:s29] =	ssyncset.done $0x0  }
0xa8: {  	[sflag:s29] =	ssyncadd.s32 $0xFFFFC000  }
0xa9: {  	_ =	swait.ge [sflag:s29], $0x4000  }
0xaa: {  	[sflag:s29] =	ssyncset.done $0x0  }
0xab: {  	s0 =	sadd.s32 s1, s14;
	[sflag:s29] =	ssyncadd.s32 $0xFFFFC000  }
0xac: {  	[hbm4b:s0+s3] =	stream.linear.scatter [tilespmem:s24], [sflag:$0x7], $0x4000, $0x38;
	[tilespmem:$0x12E00] =	vst v63  }
0xad: {  	_ =	swait.ge [sflag:s16], $0x4000  }
0xae: {  	[sflag:s16] =	ssyncset.done $0x0  }
0xaf: {  	[sflag:s16] =	ssyncadd.s32 $0xFFFFC000  }
0xb0: {  	[tilespmem:s24], [sflag:$0x5] =	stream.linear.gather [hbm4b:s5+s3], $0x4000, $0x38;
	[tilespmem:$0x12E00] =	vst v63  }
0xb1: {  	_ =	swait.ge [sflag:s30], $0x4000  }
0xb2: {  	[sflag:s30] =	ssyncset.done $0x0  }
0xb3: {  	[sflag:s30] =	ssyncadd.s32 $0xFFFFC000  }
0xb4: {  	_ =	swait.ge [sflag:s30], $0x4000  }
0xb5: {  	[sflag:s30] =	ssyncset.done $0x0  }
0xb6: {  	[sflag:s30] =	ssyncadd.s32 $0xFFFFC000  }
0xb7: {  	_ =	swait.ge [sflag:s30], $0x4000  }
0xb8: {  	[sflag:s30] =	ssyncset.done $0x0  }
0xb9: {  	[sflag:s30] =	ssyncadd.s32 $0xFFFFC000  }
0xba: {  	_ =	swait.ge [sflag:s30], $0x4000  }
0xbb: {  	[sflag:s30] =	ssyncset.done $0x0  }
.Ltmp1:
0xbc: {  	s0 =	sadd.s32 s1, s15;
	[sflag:s30] =	ssyncadd.s32 $0xFFFFC000;
	(pc) =	sbr.rel @p0 .LBB2_4-.Ltmp1, $4  }
0xbd: {  	[hbm4b:s0+s3] =	stream.linear.scatter [tilespmem:s25], [sflag:$0x7], $0x4000, $0x38;
	[tilespmem:$0x12E00] =	vst v63  }
0xbe: {  	_ =	swait.ge [sflag:s16], $0x4000  }
0xbf: {  	[sflag:s16] =	ssyncset.done $0x0  }
0xc0: {  	[sflag:s16] =	ssyncadd.s32 $0xFFFFC000  }
0xc1: {  	[tilespmem:s25], [sflag:$0x6] =	stream.linear.gather [hbm4b:s5+s3], $0x4000, $0x38;
	[tilespmem:$0x12E00] =	vst v63  }
0xc2: {  	_ =	swait.ge [sflag:s26], $0x4000  }
0xc3: {  	[sflag:s26] =	ssyncset.done $0x0  }
0xc4: {  	s0 =	simm.s32 $0x2C00;
	[sflag:s26] =	ssyncadd.s32 $0xFFFFC000  }
0xc5: {  	[tilespmem:s24], [sflag:$0x3] =	stream.indirect.gather.add.f32 [hbm:s4], $0x80, s0, s19, $0xb8;
	[tilespmem:$0x12E00] =	vst v63  }
0xc6: {  	s1 =	simm.s32 $0x2C80  }
0xc7: {  	[tilespmem:s24], [sflag:$0x3] =	stream.indirect.gather.add.f32 [hbm:s4], $0x80, s1, s19, $0xb8;
	[tilespmem:$0x12E00] =	vst v63  }
0xc8: {  	s17 =	simm.s32 $0x2D00  }
0xc9: {  	[tilespmem:s24], [sflag:$0x3] =	stream.indirect.gather.add.f32 [hbm:s4], $0x80, s17, s19, $0xb8;
	[tilespmem:$0x12E00] =	vst v63  }
0xca: {  	s31 =	simm.s32 $0x2D80  }
0xcb: {  	[tilespmem:s24], [sflag:$0x3] =	stream.indirect.gather.add.f32 [hbm:s4], $0x80, s31, s19, $0xb8;
	[tilespmem:$0x12E00] =	vst v63  }
0xcc: {  	_ =	swait.ge [sflag:s29], $0x4000  }
0xcd: {  	[sflag:s29] =	ssyncset.done $0x0  }
0xce: {  	[sflag:s29] =	ssyncadd.s32 $0xFFFFC000  }
0xcf: {  	_ =	swait.ge [sflag:s29], $0x4000  }
0xd0: {  	[sflag:s29] =	ssyncset.done $0x0  }
0xd1: {  	[sflag:s29] =	ssyncadd.s32 $0xFFFFC000  }
0xd2: {  	_ =	swait.ge [sflag:s29], $0x4000  }
0xd3: {  	[sflag:s29] =	ssyncset.done $0x0  }
0xd4: {  	[sflag:s29] =	ssyncadd.s32 $0xFFFFC000  }
0xd5: {  	s23 =	sadd.s32 $0x1, s23;
	_ =	swait.ge [sflag:s29], $0x4000  }
0xd6: {  	p0 =	sne.s32 s23, s9;
	[sflag:s29] =	ssyncset.done $0x0  }
.Ltmp2:
0xd7: {  	[sflag:s29] =	ssyncadd.s32 $0xFFFFC000;
	(pc) =	sbr.rel @p0 .LBB2_1-.Ltmp2, $4  }
0xd8: {  	[hbm4b:s8+s3] =	stream.linear.scatter [tilespmem:s24], [sflag:$0x7], $0x4000, $0x38;
	[tilespmem:$0x12E00] =	vst v63  }
0xd9: {  	_ =	swait.ge [sflag:s16], $0x4000  }
0xda: {  	[sflag:s16] =	ssyncset.done $0x0  }
0xdb: {  	[sflag:s16] =	ssyncadd.s32 $0xFFFFC000  }
0xdc: {  	_ =	sfence.sel $0x180000  }
0xdd: {  	[bflag:$0x0] =	sbarrier.arrive $0xFFFF  }
0xde: {  	_ =	strace $0x90000047  }
0xdf: {  	s0 =	stileid.u32;
	[bflag:$0x2] =	sbarrier.arrive $0xFFFF  }
0xe0: {  	p0 =	sne.s32 s0, $0x0;
	s0 =	rddreg [dreg:$0x4]  }
0xe1: {  	s0 =	sadd.s32 @!p0 $0x100000, s0  }
0xe2: {  	[sflag:s0] =	ssyncadd.tile.s32 @!p0 $0x1;
	_ =	shalt  }
.Lfunc_end2:
_tile_overlayer_lowered:
.L_overlay_start_2:
0xe3: {  	(tag) =	ssettag $0x2  }
0xe4: {  	s0 =	rddreg [dreg:$0x0];
	s2 =	stileid.u32  }
0xe5: {  	s1 =	rddreg [dreg:$0x1];
	p0 =	sne.s32 s2, $0x0  }
0xe6: {  	s3 =	rddreg [dreg:$0x2];
	[bflag:$0x3] =	sbarrier.arrive $0xFFFF;
	s2 =	simm.s32 @!p0 $0x1C07  }
0xe7: {  	[timem:s3], [sflag:s2] =	dma.local @!p0 [hbm:s0], s1  }
0xe8: {  	s0 =	simm.s32 @!p0 $0x7  }
0xe9: {  	_ =	swait.ge @!p0 [sflag:s0], s1  }
0xea: {  	s1 =	ssub.s32 @!p0 $0x0, s1;
	[sflag:s0] =	ssyncset.done @!p0 $0x0  }
0xeb: {  	[sflag:s0] =	ssyncadd.s32 @!p0 s1  }
0xec: {  	[bflag:$0x3] =	sbarrier.arrive $0xFFFF  }
0xed: {  	_ =	shalt  }

</sc_bundles>
